<compile_context>
chip_gen: v7x
topology: tpu7x:2x2x1
jax: 0.10.2.dev20260603
libtpu: 0.0.44.dev20260713+nightly
codegen_flags: <defaults>
</compile_context>

<pallas_src>
import functools

import jax
import jax.numpy as jnp
from jax import lax
from jax.experimental import pallas as pl
from jax.experimental.pallas import tpu as pltpu
from jax.experimental.pallas import tpu_sc as plsc


def _emb_call(N, D, NC, NS):
    NW = NC * NS
    n_per_w = N // NW
    C = 128
    K = 8
    BLK = K * C
    NBUF = 3
    n_blk = n_per_w // BLK
    assert n_per_w % BLK == 0 and n_blk >= NBUF + 1

    mesh = plsc.VectorSubcoreMesh(core_axis_name="c", subcore_axis_name="s",
                                  num_cores=NC, num_subcores=NS)

    @functools.partial(
        pl.kernel,
        out_type=jax.ShapeDtypeStruct((N, D), jnp.float32),
        mesh=mesh,
        scratch_types=[
            pltpu.VMEM((NBUF, K, C), jnp.int32),
            pltpu.VMEM((NBUF, BLK, D), jnp.float32),
            [pltpu.SemaphoreType.DMA] * NBUF,
            [pltpu.SemaphoreType.DMA] * NBUF,
        ],
        compiler_params=pltpu.CompilerParams(use_tc_tiling_on_sc=False),
    )
    def emb(idx_hbm, table_hbm, out_hbm, idx_v, rows_v, gsems, osems):
        wid = lax.axis_index("s") * NC + lax.axis_index("c")
        base = wid * n_per_w

        def fire(i, p):
            b = pl.multiple_of(base + i * BLK, BLK)
            pltpu.sync_copy(idx_hbm.at[pl.ds(pl.multiple_of(b // C, K), K)],
                            idx_v.at[p])
            for j in range(K):
                pltpu.async_copy(table_hbm.at[idx_v.at[p, j]],
                                 rows_v.at[p, pl.ds(j * C, C)], gsems[p])

        def drain_gathers(p):
            pltpu.make_async_copy(out_hbm.at[pl.ds(0, BLK)], rows_v.at[p],
                                  gsems[p]).wait()

        def start_store(i, p):
            b = pl.multiple_of(base + i * BLK, BLK)
            pltpu.async_copy(rows_v.at[p], out_hbm.at[pl.ds(b, BLK)],
                             osems[p])

        def wait_store(p):
            pltpu.make_async_copy(out_hbm.at[pl.ds(0, BLK)], rows_v.at[p],
                                  osems[p]).wait()

        fire(0, 0)
        for i in range(1, NBUF):
            fire(i, i)
            drain_gathers(i - 1)
            start_store(i - 1, i - 1)

        n_loop = (n_blk - NBUF) // NBUF

        def body(g, carry):
            for t in range(NBUF):
                i = g * NBUF + t
                wait_store(t)
                fire(i, t)
                q = (t + NBUF - 1) % NBUF
                drain_gathers(q)
                start_store(i - 1, q)
            return carry

        lax.fori_loop(1, n_loop + 1, body, 0)

        for r in range(NBUF * (n_loop + 1), n_blk):
            t = r % NBUF
            wait_store(t)
            fire(r, t)
            q = (t + NBUF - 1) % NBUF
            drain_gathers(q)
            start_store(r - 1, q)

        last = n_blk - 1
        drain_gathers(last % NBUF)
        start_store(last, last % NBUF)
        for p in range(NBUF):
            wait_store(p)

    return emb


def _tr_call(B, L, D, NB):
    M = L // 4
    RB = M * NB

    def body(in_ref, out_ref):
        x3 = in_ref[...].reshape(NB, M, 4 * D)
        y = jnp.transpose(x3, (1, 0, 2))
        out_ref[...] = jnp.transpose(y, (0, 2, 1))

    return pl.pallas_call(
        body,
        grid=(B // NB,),
        in_specs=[pl.BlockSpec((RB, 4 * D), lambda i: (i, 0))],
        out_specs=pl.BlockSpec((M, 4 * D, NB), lambda i: (0, 0, i)),
        out_shape=jax.ShapeDtypeStruct((M, 4 * D, B), jnp.float32),
    )


def kernel(indices, table):
    B, L = indices.shape
    V, D = table.shape
    N = B * L
    info = plsc.get_sparse_core_info()
    NC, NS = info.num_cores, info.num_subcores
    idx2d = indices.reshape(N // 128, 128).astype(jnp.int32)
    g = _emb_call(N, D, NC, NS)(idx2d, table)
    g2 = g.reshape(N * D // 128, 128)
    t3 = _tr_call(B, L, D, 256)(g2)
    return t3.reshape(L, D, B).transpose(2, 0, 1)

# --- scband reference (transcript-rebuilt; emitter-appended) ---
"""Pipeline reference for scband-embedding-704374636702 (READ-ONLY COPY).

The authoritative reference and input builder live on the scoring server;
editing this copy changes nothing except your own understanding.
"""

import jax, jax.numpy as jnp
import numpy as np

VOCAB = 1000000
EMBED = 32
B = 16384
L = 200
PAD = 0

def setup_inputs(seed: int = 0) -> dict:
    key = jax.random.key(seed)
    k_idx, k_tab = jax.random.split(key)
    indices = jax.random.randint(k_idx, (B, L), 0, VOCAB, dtype=jnp.int64)
    # nn.Embedding weight, with padding_idx row zeroed (torch zeroes it at init)
    table = jax.random.normal(k_tab, (VOCAB, EMBED), dtype=jnp.float32) * 0.02
    table = table.at[PAD].set(0.0)
    return {"indices": indices, "table": table}

def reference(indices, table):
    # Embedding with train_type='rand': single nn.Embedding lookup.
    # padding_idx row is zero in the table, so a plain gather is faithful.
    out = jnp.take(table, indices, axis=0)
    return out

if __name__ == "__main__":
    import jax
    _d = setup_inputs()
    print(jax.jit(kernel)(*tuple(_d.values())))

</pallas_src>

<mosaic_0001>
#map = affine_map<(d0, d1) -> (0, 0)>
module attributes {stable_mosaic.version = 14 : i64} {
  func.func @emb(%arg0: i32, %arg1: i32, %arg2: memref<25600x128xi32, #tpu.memory_space<hbm>>, %arg3: memref<1000000x32xf32, #tpu.memory_space<hbm>>, %arg4: memref<3276800x32xf32, #tpu.memory_space<hbm>>, %arg5: memref<3x8x128xi32, #tpu.memory_space<vmem>>, %arg6: memref<3x1024x32xf32, #tpu.memory_space<vmem>>, %arg7: memref<!tpu.dma_semaphore, #tpu.memory_space<semaphore_mem>>, %arg8: memref<!tpu.dma_semaphore, #tpu.memory_space<semaphore_mem>>, %arg9: memref<!tpu.dma_semaphore, #tpu.memory_space<semaphore_mem>>, %arg10: memref<!tpu.dma_semaphore, #tpu.memory_space<semaphore_mem>>, %arg11: memref<!tpu.dma_semaphore, #tpu.memory_space<semaphore_mem>>, %arg12: memref<!tpu.dma_semaphore, #tpu.memory_space<semaphore_mem>>) attributes {dimension_semantics = [#tpu.dimension_semantics<core_parallel>, #tpu.dimension_semantics<subcore_parallel>], iteration_bounds = array<i64: 2, 16>, scalar_prefetch = 0 : i64, scratch_operands = 8 : i64, tpu.core_type = #tpu.core_type<sc_vector_subcore>, window_params = [{transform_indices = #map}, {transform_indices = #map}, {transform_indices = #map}]} {
    %mul3A = arith.constant 2 : i32
    %mul3A_0 = arith.muli %arg1, %mul3A : i32
    %add3A = arith.addi %mul3A_0, %arg0 : i32
    %mul3A_1 = arith.constant 102400 : i32
    %mul3A_2 = arith.muli %add3A, %mul3A_1 : i32
    %add3A_3 = arith.constant 0 : i32
    %add3A_4 = arith.addi %mul3A_2, %add3A_3 : i32
    %multiple_of3A = tpu.assume_multiple %add3A_4, 1024 : i32
    %jit3A = arith.constant 128 : i32
    %div3A = arith.divsi %multiple_of3A, %jit3A : i32
    %sign3A = arith.constant 0 : i32
    %sign3A_5 = arith.cmpi sgt, %multiple_of3A, %sign3A : i32
    %sign3A_6 = arith.extui %sign3A_5 : i1 to i32
    %sign3A_7 = arith.constant 0 : i32
    %sign3A_8 = arith.cmpi slt, %multiple_of3A, %sign3A_7 : i32
    %sign3A_9 = arith.extui %sign3A_8 : i1 to i32
    %sign3A_10 = arith.subi %sign3A_6, %sign3A_9 : i32
    %sign3A_11 = arith.constant 0 : i32
    %sign3A_12 = arith.cmpi sgt, %jit3A, %sign3A_11 : i32
    %sign3A_13 = arith.extui %sign3A_12 : i1 to i32
    %sign3A_14 = arith.constant 0 : i32
    %sign3A_15 = arith.cmpi slt, %jit3A, %sign3A_14 : i32
    %sign3A_16 = arith.extui %sign3A_15 : i1 to i32
    %sign3A_17 = arith.subi %sign3A_13, %sign3A_16 : i32
    %ne3A = arith.cmpi ne, %sign3A_10, %sign3A_17 : i32
    %rem3A = arith.remsi %multiple_of3A, %jit3A : i32
    %ne3A_18 = arith.constant 0 : i32
    %ne3A_19 = arith.cmpi ne, %rem3A, %ne3A_18 : i32
    %and3A = arith.andi %ne3A, %ne3A_19 : i1
    %sub3A = arith.constant 1 : i32
    %sub3A_20 = arith.subi %div3A, %sub3A : i32
    %select_n3A = arith.select %and3A, %sub3A_20, %div3A : i32
    %multiple_of3A_21 = tpu.assume_multiple %select_n3A, 8 : i32
    %run_scoped3A = arith.constant 0 : i32
    "tpu.region"() ({
      %run_scoped3A_712 = tpu.sem_alloc : memref<!tpu.dma_semaphore, #tpu.memory_space<semaphore_mem>>
      %dma_start3A_713 = arith.constant 0 : i32
      %dma_start3A_714 = arith.constant 0 : i32
      %dma_start3A_715 = tpu.memref_slice %arg5[%run_scoped3A, %dma_start3A_713, %dma_start3A_714] : memref<3x8x128xi32, #tpu.memory_space<vmem>> -> memref<1x8x128xi32, #tpu.memory_space<vmem>>
      %dma_start3A_716 = tpu.memref_squeeze %dma_start3A_715 : memref<1x8x128xi32, #tpu.memory_space<vmem>> -> memref<8x128xi32, #tpu.memory_space<vmem>>
      %dma_start3A_717 = arith.constant 0 : i32
      %dma_start3A_718 = tpu.memref_slice %arg2[%multiple_of3A_21, %dma_start3A_717] : memref<25600x128xi32, #tpu.memory_space<hbm>> -> memref<8x128xi32, #tpu.memory_space<hbm>>
      %dma_start3A_719 = arith.constant 0 : i32
      %dma_start3A_720 = arith.constant 0 : i32
      %dma_start3A_721 = tpu.memref_slice %arg5[%run_scoped3A, %dma_start3A_719, %dma_start3A_720] : memref<3x8x128xi32, #tpu.memory_space<vmem>> -> memref<1x8x128xi32, #tpu.memory_space<vmem>>
      %dma_start3A_722 = tpu.memref_squeeze %dma_start3A_721 : memref<1x8x128xi32, #tpu.memory_space<vmem>> -> memref<8x128xi32, #tpu.memory_space<vmem>>
      %dma_start3A_723 = arith.constant 0 : i32
      %dma_start3A_724 = tpu.memref_slice %arg2[%multiple_of3A_21, %dma_start3A_723] : memref<25600x128xi32, #tpu.memory_space<hbm>> -> memref<8x128xi32, #tpu.memory_space<hbm>>
      tpu.enqueue_dma source(%dma_start3A_724 : memref<8x128xi32, #tpu.memory_space<hbm>>) target(%dma_start3A_722 : memref<8x128xi32, #tpu.memory_space<vmem>>) target_semaphore(%run_scoped3A_712 : memref<!tpu.dma_semaphore, #tpu.memory_space<semaphore_mem>>)
      %dma_wait3A_725 = arith.constant 0 : i32
      %dma_wait3A_726 = arith.constant 0 : i32
      %dma_wait3A_727 = tpu.memref_slice %arg5[%run_scoped3A, %dma_wait3A_725, %dma_wait3A_726] : memref<3x8x128xi32, #tpu.memory_space<vmem>> -> memref<1x8x128xi32, #tpu.memory_space<vmem>>
      %dma_wait3A_728 = tpu.memref_squeeze %dma_wait3A_727 : memref<1x8x128xi32, #tpu.memory_space<vmem>> -> memref<8x128xi32, #tpu.memory_space<vmem>>
      %dma_wait3A_729 = arith.constant 0 : i32
      %dma_wait3A_730 = tpu.memref_slice %arg2[%multiple_of3A_21, %dma_wait3A_729] : memref<25600x128xi32, #tpu.memory_space<hbm>> -> memref<8x128xi32, #tpu.memory_space<hbm>>
      %dma_wait3A_731 = arith.constant 0 : i32
      %dma_wait3A_732 = arith.constant 0 : i32
      %dma_wait3A_733 = tpu.memref_slice %arg5[%run_scoped3A, %dma_wait3A_731, %dma_wait3A_732] : memref<3x8x128xi32, #tpu.memory_space<vmem>> -> memref<1x8x128xi32, #tpu.memory_space<vmem>>
      %dma_wait3A_734 = tpu.memref_squeeze %dma_wait3A_733 : memref<1x8x128xi32, #tpu.memory_space<vmem>> -> memref<8x128xi32, #tpu.memory_space<vmem>>
      %dma_wait3A_735 = arith.constant 0 : i32
      %dma_wait3A_736 = tpu.memref_slice %arg2[%multiple_of3A_21, %dma_wait3A_735] : memref<25600x128xi32, #tpu.memory_space<hbm>> -> memref<8x128xi32, #tpu.memory_space<hbm>>
      tpu.wait_dma2 semaphore(%run_scoped3A_712 : memref<!tpu.dma_semaphore, #tpu.memory_space<semaphore_mem>>) src(%dma_wait3A_736 : memref<8x128xi32, #tpu.memory_space<hbm>>) dst(%dma_wait3A_734 : memref<8x128xi32, #tpu.memory_space<vmem>>)
      tpu.yield
    }) : () -> ()
    %dma_start3A = arith.constant 0 : i32
    %dma_start3A_22 = arith.constant 0 : i32
    %dma_start3A_23 = arith.constant 0 : i32
    %dma_start3A_24 = arith.constant 0 : i32
    %dma_start3A_25 = arith.constant 0 : i32
    %dma_start3A_26 = tpu.memref_slice %arg6[%dma_start3A_23, %dma_start3A_24, %dma_start3A_25] : memref<3x1024x32xf32, #tpu.memory_space<vmem>> -> memref<1x128x32xf32, #tpu.memory_space<vmem>>
    %dma_start3A_27 = tpu.memref_squeeze %dma_start3A_26 : memref<1x128x32xf32, #tpu.memory_space<vmem>> -> memref<128x32xf32, #tpu.memory_space<vmem>>
    %dma_start3A_28 = arith.constant 0 : i32
    %dma_start3A_29 = tpu.memref_slice %arg5[%dma_start3A, %dma_start3A_22, %dma_start3A_28] : memref<3x8x128xi32, #tpu.memory_space<vmem>> -> memref<1x1x128xi32, #tpu.memory_space<vmem>>
    %dma_start3A_30 = tpu.memref_squeeze %dma_start3A_29 : memref<1x1x128xi32, #tpu.memory_space<vmem>> -> memref<128xi32, #tpu.memory_space<vmem>>
    %dma_start3A_31 = arith.constant 0 : i32
    %dma_start3A_32 = arith.constant 0 : i32
    %dma_start3A_33 = tpu.memref_slice %arg3[%dma_start3A_31, %dma_start3A_32] : memref<1000000x32xf32, #tpu.memory_space<hbm>> -> memref<1000000x32xf32, #tpu.memory_space<hbm>>
    tpu.enqueue_indirect_dma source(%dma_start3A_33 : memref<1000000x32xf32, #tpu.memory_space<hbm>>) target(%dma_start3A_27 : memref<128x32xf32, #tpu.memory_space<vmem>>) offsets(%dma_start3A_30 : memref<128xi32, #tpu.memory_space<vmem>>) semaphore(%arg7 : memref<!tpu.dma_semaphore, #tpu.memory_space<semaphore_mem>>)
    %dma_start3A_34 = arith.constant 0 : i32
    %dma_start3A_35 = arith.constant 1 : i32
    %dma_start3A_36 = arith.constant 0 : i32
    %dma_start3A_37 = arith.constant 128 : i32
    %dma_start3A_38 = arith.constant 0 : i32
    %dma_start3A_39 = tpu.memref_slice %arg6[%dma_start3A_36, %dma_start3A_37, %dma_start3A_38] : memref<3x1024x32xf32, #tpu.memory_space<vmem>> -> memref<1x128x32xf32, #tpu.memory_space<vmem>>
    %dma_start3A_40 = tpu.memref_squeeze %dma_start3A_39 : memref<1x128x32xf32, #tpu.memory_space<vmem>> -> memref<128x32xf32, #tpu.memory_space<vmem>>
    %dma_start3A_41 = arith.constant 0 : i32
    %dma_start3A_42 = tpu.memref_slice %arg5[%dma_start3A_34, %dma_start3A_35, %dma_start3A_41] : memref<3x8x128xi32, #tpu.memory_space<vmem>> -> memref<1x1x128xi32, #tpu.memory_space<vmem>>
    %dma_start3A_43 = tpu.memref_squeeze %dma_start3A_42 : memref<1x1x128xi32, #tpu.memory_space<vmem>> -> memref<128xi32, #tpu.memory_space<vmem>>
    %dma_start3A_44 = arith.constant 0 : i32
    %dma_start3A_45 = arith.constant 0 : i32
    %dma_start3A_46 = tpu.memref_slice %arg3[%dma_start3A_44, %dma_start3A_45] : memref<1000000x32xf32, #tpu.memory_space<hbm>> -> memref<1000000x32xf32, #tpu.memory_space<hbm>>
    tpu.enqueue_indirect_dma source(%dma_start3A_46 : memref<1000000x32xf32, #tpu.memory_space<hbm>>) target(%dma_start3A_40 : memref<128x32xf32, #tpu.memory_space<vmem>>) offsets(%dma_start3A_43 : memref<128xi32, #tpu.memory_space<vmem>>) semaphore(%arg7 : memref<!tpu.dma_semaphore, #tpu.memory_space<semaphore_mem>>)
    %dma_start3A_47 = arith.constant 0 : i32
    %dma_start3A_48 = arith.constant 2 : i32
    %dma_start3A_49 = arith.constant 0 : i32
    %dma_start3A_50 = arith.constant 256 : i32
    %dma_start3A_51 = arith.constant 0 : i32
    %dma_start3A_52 = tpu.memref_slice %arg6[%dma_start3A_49, %dma_start3A_50, %dma_start3A_51] : memref<3x1024x32xf32, #tpu.memory_space<vmem>> -> memref<1x128x32xf32, #tpu.memory_space<vmem>>
    %dma_start3A_53 = tpu.memref_squeeze %dma_start3A_52 : memref<1x128x32xf32, #tpu.memory_space<vmem>> -> memref<128x32xf32, #tpu.memory_space<vmem>>
    %dma_start3A_54 = arith.constant 0 : i32
    %dma_start3A_55 = tpu.memref_slice %arg5[%dma_start3A_47, %dma_start3A_48, %dma_start3A_54] : memref<3x8x128xi32, #tpu.memory_space<vmem>> -> memref<1x1x128xi32, #tpu.memory_space<vmem>>
    %dma_start3A_56 = tpu.memref_squeeze %dma_start3A_55 : memref<1x1x128xi32, #tpu.memory_space<vmem>> -> memref<128xi32, #tpu.memory_space<vmem>>
    %dma_start3A_57 = arith.constant 0 : i32
    %dma_start3A_58 = arith.constant 0 : i32
    %dma_start3A_59 = tpu.memref_slice %arg3[%dma_start3A_57, %dma_start3A_58] : memref<1000000x32xf32, #tpu.memory_space<hbm>> -> memref<1000000x32xf32, #tpu.memory_space<hbm>>
    tpu.enqueue_indirect_dma source(%dma_start3A_59 : memref<1000000x32xf32, #tpu.memory_space<hbm>>) target(%dma_start3A_53 : memref<128x32xf32, #tpu.memory_space<vmem>>) offsets(%dma_start3A_56 : memref<128xi32, #tpu.memory_space<vmem>>) semaphore(%arg7 : memref<!tpu.dma_semaphore, #tpu.memory_space<semaphore_mem>>)
    %dma_start3A_60 = arith.constant 0 : i32
    %dma_start3A_61 = arith.constant 3 : i32
    %dma_start3A_62 = arith.constant 0 : i32
    %dma_start3A_63 = arith.constant 384 : i32
    %dma_start3A_64 = arith.constant 0 : i32
    %dma_start3A_65 = tpu.memref_slice %arg6[%dma_start3A_62, %dma_start3A_63, %dma_start3A_64] : memref<3x1024x32xf32, #tpu.memory_space<vmem>> -> memref<1x128x32xf32, #tpu.memory_space<vmem>>
    %dma_start3A_66 = tpu.memref_squeeze %dma_start3A_65 : memref<1x128x32xf32, #tpu.memory_space<vmem>> -> memref<128x32xf32, #tpu.memory_space<vmem>>
    %dma_start3A_67 = arith.constant 0 : i32
    %dma_start3A_68 = tpu.memref_slice %arg5[%dma_start3A_60, %dma_start3A_61, %dma_start3A_67] : memref<3x8x128xi32, #tpu.memory_space<vmem>> -> memref<1x1x128xi32, #tpu.memory_space<vmem>>
    %dma_start3A_69 = tpu.memref_squeeze %dma_start3A_68 : memref<1x1x128xi32, #tpu.memory_space<vmem>> -> memref<128xi32, #tpu.memory_space<vmem>>
    %dma_start3A_70 = arith.constant 0 : i32
    %dma_start3A_71 = arith.constant 0 : i32
    %dma_start3A_72 = tpu.memref_slice %arg3[%dma_start3A_70, %dma_start3A_71] : memref<1000000x32xf32, #tpu.memory_space<hbm>> -> memref<1000000x32xf32, #tpu.memory_space<hbm>>
    tpu.enqueue_indirect_dma source(%dma_start3A_72 : memref<1000000x32xf32, #tpu.memory_space<hbm>>) target(%dma_start3A_66 : memref<128x32xf32, #tpu.memory_space<vmem>>) offsets(%dma_start3A_69 : memref<128xi32, #tpu.memory_space<vmem>>) semaphore(%arg7 : memref<!tpu.dma_semaphore, #tpu.memory_space<semaphore_mem>>)
    %dma_start3A_73 = arith.constant 0 : i32
    %dma_start3A_74 = arith.constant 4 : i32
    %dma_start3A_75 = arith.constant 0 : i32
    %dma_start3A_76 = arith.constant 512 : i32
    %dma_start3A_77 = arith.constant 0 : i32
    %dma_start3A_78 = tpu.memref_slice %arg6[%dma_start3A_75, %dma_start3A_76, %dma_start3A_77] : memref<3x1024x32xf32, #tpu.memory_space<vmem>> -> memref<1x128x32xf32, #tpu.memory_space<vmem>>
    %dma_start3A_79 = tpu.memref_squeeze %dma_start3A_78 : memref<1x128x32xf32, #tpu.memory_space<vmem>> -> memref<128x32xf32, #tpu.memory_space<vmem>>
    %dma_start3A_80 = arith.constant 0 : i32
    %dma_start3A_81 = tpu.memref_slice %arg5[%dma_start3A_73, %dma_start3A_74, %dma_start3A_80] : memref<3x8x128xi32, #tpu.memory_space<vmem>> -> memref<1x1x128xi32, #tpu.memory_space<vmem>>
    %dma_start3A_82 = tpu.memref_squeeze %dma_start3A_81 : memref<1x1x128xi32, #tpu.memory_space<vmem>> -> memref<128xi32, #tpu.memory_space<vmem>>
    %dma_start3A_83 = arith.constant 0 : i32
    %dma_start3A_84 = arith.constant 0 : i32
    %dma_start3A_85 = tpu.memref_slice %arg3[%dma_start3A_83, %dma_start3A_84] : memref<1000000x32xf32, #tpu.memory_space<hbm>> -> memref<1000000x32xf32, #tpu.memory_space<hbm>>
    tpu.enqueue_indirect_dma source(%dma_start3A_85 : memref<1000000x32xf32, #tpu.memory_space<hbm>>) target(%dma_start3A_79 : memref<128x32xf32, #tpu.memory_space<vmem>>) offsets(%dma_start3A_82 : memref<128xi32, #tpu.memory_space<vmem>>) semaphore(%arg7 : memref<!tpu.dma_semaphore, #tpu.memory_space<semaphore_mem>>)
    %dma_start3A_86 = arith.constant 0 : i32
    %dma_start3A_87 = arith.constant 5 : i32
    %dma_start3A_88 = arith.constant 0 : i32
    %dma_start3A_89 = arith.constant 640 : i32
    %dma_start3A_90 = arith.constant 0 : i32
    %dma_start3A_91 = tpu.memref_slice %arg6[%dma_start3A_88, %dma_start3A_89, %dma_start3A_90] : memref<3x1024x32xf32, #tpu.memory_space<vmem>> -> memref<1x128x32xf32, #tpu.memory_space<vmem>>
    %dma_start3A_92 = tpu.memref_squeeze %dma_start3A_91 : memref<1x128x32xf32, #tpu.memory_space<vmem>> -> memref<128x32xf32, #tpu.memory_space<vmem>>
    %dma_start3A_93 = arith.constant 0 : i32
    %dma_start3A_94 = tpu.memref_slice %arg5[%dma_start3A_86, %dma_start3A_87, %dma_start3A_93] : memref<3x8x128xi32, #tpu.memory_space<vmem>> -> memref<1x1x128xi32, #tpu.memory_space<vmem>>
    %dma_start3A_95 = tpu.memref_squeeze %dma_start3A_94 : memref<1x1x128xi32, #tpu.memory_space<vmem>> -> memref<128xi32, #tpu.memory_space<vmem>>
    %dma_start3A_96 = arith.constant 0 : i32
    %dma_start3A_97 = arith.constant 0 : i32
    %dma_start3A_98 = tpu.memref_slice %arg3[%dma_start3A_96, %dma_start3A_97] : memref<1000000x32xf32, #tpu.memory_space<hbm>> -> memref<1000000x32xf32, #tpu.memory_space<hbm>>
    tpu.enqueue_indirect_dma source(%dma_start3A_98 : memref<1000000x32xf32, #tpu.memory_space<hbm>>) target(%dma_start3A_92 : memref<128x32xf32, #tpu.memory_space<vmem>>) offsets(%dma_start3A_95 : memref<128xi32, #tpu.memory_space<vmem>>) semaphore(%arg7 : memref<!tpu.dma_semaphore, #tpu.memory_space<semaphore_mem>>)
    %dma_start3A_99 = arith.constant 0 : i32
    %dma_start3A_100 = arith.constant 6 : i32
    %dma_start3A_101 = arith.constant 0 : i32
    %dma_start3A_102 = arith.constant 768 : i32
    %dma_start3A_103 = arith.constant 0 : i32
    %dma_start3A_104 = tpu.memref_slice %arg6[%dma_start3A_101, %dma_start3A_102, %dma_start3A_103] : memref<3x1024x32xf32, #tpu.memory_space<vmem>> -> memref<1x128x32xf32, #tpu.memory_space<vmem>>
    %dma_start3A_105 = tpu.memref_squeeze %dma_start3A_104 : memref<1x128x32xf32, #tpu.memory_space<vmem>> -> memref<128x32xf32, #tpu.memory_space<vmem>>
    %dma_start3A_106 = arith.constant 0 : i32
    %dma_start3A_107 = tpu.memref_slice %arg5[%dma_start3A_99, %dma_start3A_100, %dma_start3A_106] : memref<3x8x128xi32, #tpu.memory_space<vmem>> -> memref<1x1x128xi32, #tpu.memory_space<vmem>>
    %dma_start3A_108 = tpu.memref_squeeze %dma_start3A_107 : memref<1x1x128xi32, #tpu.memory_space<vmem>> -> memref<128xi32, #tpu.memory_space<vmem>>
    %dma_start3A_109 = arith.constant 0 : i32
    %dma_start3A_110 = arith.constant 0 : i32
    %dma_start3A_111 = tpu.memref_slice %arg3[%dma_start3A_109, %dma_start3A_110] : memref<1000000x32xf32, #tpu.memory_space<hbm>> -> memref<1000000x32xf32, #tpu.memory_space<hbm>>
    tpu.enqueue_indirect_dma source(%dma_start3A_111 : memref<1000000x32xf32, #tpu.memory_space<hbm>>) target(%dma_start3A_105 : memref<128x32xf32, #tpu.memory_space<vmem>>) offsets(%dma_start3A_108 : memref<128xi32, #tpu.memory_space<vmem>>) semaphore(%arg7 : memref<!tpu.dma_semaphore, #tpu.memory_space<semaphore_mem>>)
    %dma_start3A_112 = arith.constant 0 : i32
    %dma_start3A_113 = arith.constant 7 : i32
    %dma_start3A_114 = arith.constant 0 : i32
    %dma_start3A_115 = arith.constant 896 : i32
    %dma_start3A_116 = arith.constant 0 : i32
    %dma_start3A_117 = tpu.memref_slice %arg6[%dma_start3A_114, %dma_start3A_115, %dma_start3A_116] : memref<3x1024x32xf32, #tpu.memory_space<vmem>> -> memref<1x128x32xf32, #tpu.memory_space<vmem>>
    %dma_start3A_118 = tpu.memref_squeeze %dma_start3A_117 : memref<1x128x32xf32, #tpu.memory_space<vmem>> -> memref<128x32xf32, #tpu.memory_space<vmem>>
    %dma_start3A_119 = arith.constant 0 : i32
    %dma_start3A_120 = tpu.memref_slice %arg5[%dma_start3A_112, %dma_start3A_113, %dma_start3A_119] : memref<3x8x128xi32, #tpu.memory_space<vmem>> -> memref<1x1x128xi32, #tpu.memory_space<vmem>>
    %dma_start3A_121 = tpu.memref_squeeze %dma_start3A_120 : memref<1x1x128xi32, #tpu.memory_space<vmem>> -> memref<128xi32, #tpu.memory_space<vmem>>
    %dma_start3A_122 = arith.constant 0 : i32
    %dma_start3A_123 = arith.constant 0 : i32
    %dma_start3A_124 = tpu.memref_slice %arg3[%dma_start3A_122, %dma_start3A_123] : memref<1000000x32xf32, #tpu.memory_space<hbm>> -> memref<1000000x32xf32, #tpu.memory_space<hbm>>
    tpu.enqueue_indirect_dma source(%dma_start3A_124 : memref<1000000x32xf32, #tpu.memory_space<hbm>>) target(%dma_start3A_118 : memref<128x32xf32, #tpu.memory_space<vmem>>) offsets(%dma_start3A_121 : memref<128xi32, #tpu.memory_space<vmem>>) semaphore(%arg7 : memref<!tpu.dma_semaphore, #tpu.memory_space<semaphore_mem>>)
    %add3A_125 = arith.constant 1024 : i32
    %add3A_126 = arith.addi %mul3A_2, %add3A_125 : i32
    %multiple_of3A_127 = tpu.assume_multiple %add3A_126, 1024 : i32
    %jit3A_128 = arith.constant 128 : i32
    %div3A_129 = arith.divsi %multiple_of3A_127, %jit3A_128 : i32
    %sign3A_130 = arith.constant 0 : i32
    %sign3A_131 = arith.cmpi sgt, %multiple_of3A_127, %sign3A_130 : i32
    %sign3A_132 = arith.extui %sign3A_131 : i1 to i32
    %sign3A_133 = arith.constant 0 : i32
    %sign3A_134 = arith.cmpi slt, %multiple_of3A_127, %sign3A_133 : i32
    %sign3A_135 = arith.extui %sign3A_134 : i1 to i32
    %sign3A_136 = arith.subi %sign3A_132, %sign3A_135 : i32
    %sign3A_137 = arith.constant 0 : i32
    %sign3A_138 = arith.cmpi sgt, %jit3A_128, %sign3A_137 : i32
    %sign3A_139 = arith.extui %sign3A_138 : i1 to i32
    %sign3A_140 = arith.constant 0 : i32
    %sign3A_141 = arith.cmpi slt, %jit3A_128, %sign3A_140 : i32
    %sign3A_142 = arith.extui %sign3A_141 : i1 to i32
    %sign3A_143 = arith.subi %sign3A_139, %sign3A_142 : i32
    %ne3A_144 = arith.cmpi ne, %sign3A_136, %sign3A_143 : i32
    %rem3A_145 = arith.remsi %multiple_of3A_127, %jit3A_128 : i32
    %ne3A_146 = arith.constant 0 : i32
    %ne3A_147 = arith.cmpi ne, %rem3A_145, %ne3A_146 : i32
    %and3A_148 = arith.andi %ne3A_144, %ne3A_147 : i1
    %sub3A_149 = arith.constant 1 : i32
    %sub3A_150 = arith.subi %div3A_129, %sub3A_149 : i32
    %select_n3A_151 = arith.select %and3A_148, %sub3A_150, %div3A_129 : i32
    %multiple_of3A_152 = tpu.assume_multiple %select_n3A_151, 8 : i32
    %run_scoped3A_153 = arith.constant 1 : i32
    "tpu.region"() ({
      %run_scoped3A_712 = tpu.sem_alloc : memref<!tpu.dma_semaphore, #tpu.memory_space<semaphore_mem>>
      %dma_start3A_713 = arith.constant 0 : i32
      %dma_start3A_714 = arith.constant 0 : i32
      %dma_start3A_715 = tpu.memref_slice %arg5[%run_scoped3A_153, %dma_start3A_713, %dma_start3A_714] : memref<3x8x128xi32, #tpu.memory_space<vmem>> -> memref<1x8x128xi32, #tpu.memory_space<vmem>>
      %dma_start3A_716 = tpu.memref_squeeze %dma_start3A_715 : memref<1x8x128xi32, #tpu.memory_space<vmem>> -> memref<8x128xi32, #tpu.memory_space<vmem>>
      %dma_start3A_717 = arith.constant 0 : i32
      %dma_start3A_718 = tpu.memref_slice %arg2[%multiple_of3A_152, %dma_start3A_717] : memref<25600x128xi32, #tpu.memory_space<hbm>> -> memref<8x128xi32, #tpu.memory_space<hbm>>
      %dma_start3A_719 = arith.constant 0 : i32
      %dma_start3A_720 = arith.constant 0 : i32
      %dma_start3A_721 = tpu.memref_slice %arg5[%run_scoped3A_153, %dma_start3A_719, %dma_start3A_720] : memref<3x8x128xi32, #tpu.memory_space<vmem>> -> memref<1x8x128xi32, #tpu.memory_space<vmem>>
      %dma_start3A_722 = tpu.memref_squeeze %dma_start3A_721 : memref<1x8x128xi32, #tpu.memory_space<vmem>> -> memref<8x128xi32, #tpu.memory_space<vmem>>
      %dma_start3A_723 = arith.constant 0 : i32
      %dma_start3A_724 = tpu.memref_slice %arg2[%multiple_of3A_152, %dma_start3A_723] : memref<25600x128xi32, #tpu.memory_space<hbm>> -> memref<8x128xi32, #tpu.memory_space<hbm>>
      tpu.enqueue_dma source(%dma_start3A_724 : memref<8x128xi32, #tpu.memory_space<hbm>>) target(%dma_start3A_722 : memref<8x128xi32, #tpu.memory_space<vmem>>) target_semaphore(%run_scoped3A_712 : memref<!tpu.dma_semaphore, #tpu.memory_space<semaphore_mem>>)
      %dma_wait3A_725 = arith.constant 0 : i32
      %dma_wait3A_726 = arith.constant 0 : i32
      %dma_wait3A_727 = tpu.memref_slice %arg5[%run_scoped3A_153, %dma_wait3A_725, %dma_wait3A_726] : memref<3x8x128xi32, #tpu.memory_space<vmem>> -> memref<1x8x128xi32, #tpu.memory_space<vmem>>
      %dma_wait3A_728 = tpu.memref_squeeze %dma_wait3A_727 : memref<1x8x128xi32, #tpu.memory_space<vmem>> -> memref<8x128xi32, #tpu.memory_space<vmem>>
      %dma_wait3A_729 = arith.constant 0 : i32
      %dma_wait3A_730 = tpu.memref_slice %arg2[%multiple_of3A_152, %dma_wait3A_729] : memref<25600x128xi32, #tpu.memory_space<hbm>> -> memref<8x128xi32, #tpu.memory_space<hbm>>
      %dma_wait3A_731 = arith.constant 0 : i32
      %dma_wait3A_732 = arith.constant 0 : i32
      %dma_wait3A_733 = tpu.memref_slice %arg5[%run_scoped3A_153, %dma_wait3A_731, %dma_wait3A_732] : memref<3x8x128xi32, #tpu.memory_space<vmem>> -> memref<1x8x128xi32, #tpu.memory_space<vmem>>
      %dma_wait3A_734 = tpu.memref_squeeze %dma_wait3A_733 : memref<1x8x128xi32, #tpu.memory_space<vmem>> -> memref<8x128xi32, #tpu.memory_space<vmem>>
      %dma_wait3A_735 = arith.constant 0 : i32
      %dma_wait3A_736 = tpu.memref_slice %arg2[%multiple_of3A_152, %dma_wait3A_735] : memref<25600x128xi32, #tpu.memory_space<hbm>> -> memref<8x128xi32, #tpu.memory_space<hbm>>
      tpu.wait_dma2 semaphore(%run_scoped3A_712 : memref<!tpu.dma_semaphore, #tpu.memory_space<semaphore_mem>>) src(%dma_wait3A_736 : memref<8x128xi32, #tpu.memory_space<hbm>>) dst(%dma_wait3A_734 : memref<8x128xi32, #tpu.memory_space<vmem>>)
      tpu.yield
    }) : () -> ()
    %dma_start3A_154 = arith.constant 1 : i32
    %dma_start3A_155 = arith.constant 0 : i32
    %dma_start3A_156 = arith.constant 1 : i32
    %dma_start3A_157 = arith.constant 0 : i32
    %dma_start3A_158 = arith.constant 0 : i32
    %dma_start3A_159 = tpu.memref_slice %arg6[%dma_start3A_156, %dma_start3A_157, %dma_start3A_158] : memref<3x1024x32xf32, #tpu.memory_space<vmem>> -> memref<1x128x32xf32, #tpu.memory_space<vmem>>
    %dma_start3A_160 = tpu.memref_squeeze %dma_start3A_159 : memref<1x128x32xf32, #tpu.memory_space<vmem>> -> memref<128x32xf32, #tpu.memory_space<vmem>>
    %dma_start3A_161 = arith.constant 0 : i32
    %dma_start3A_162 = tpu.memref_slice %arg5[%dma_start3A_154, %dma_start3A_155, %dma_start3A_161] : memref<3x8x128xi32, #tpu.memory_space<vmem>> -> memref<1x1x128xi32, #tpu.memory_space<vmem>>
    %dma_start3A_163 = tpu.memref_squeeze %dma_start3A_162 : memref<1x1x128xi32, #tpu.memory_space<vmem>> -> memref<128xi32, #tpu.memory_space<vmem>>
    %dma_start3A_164 = arith.constant 0 : i32
    %dma_start3A_165 = arith.constant 0 : i32
    %dma_start3A_166 = tpu.memref_slice %arg3[%dma_start3A_164, %dma_start3A_165] : memref<1000000x32xf32, #tpu.memory_space<hbm>> -> memref<1000000x32xf32, #tpu.memory_space<hbm>>
    tpu.enqueue_indirect_dma source(%dma_start3A_166 : memref<1000000x32xf32, #tpu.memory_space<hbm>>) target(%dma_start3A_160 : memref<128x32xf32, #tpu.memory_space<vmem>>) offsets(%dma_start3A_163 : memref<128xi32, #tpu.memory_space<vmem>>) semaphore(%arg8 : memref<!tpu.dma_semaphore, #tpu.memory_space<semaphore_mem>>)
    %dma_start3A_167 = arith.constant 1 : i32
    %dma_start3A_168 = arith.constant 1 : i32
    %dma_start3A_169 = arith.constant 1 : i32
    %dma_start3A_170 = arith.constant 128 : i32
    %dma_start3A_171 = arith.constant 0 : i32
    %dma_start3A_172 = tpu.memref_slice %arg6[%dma_start3A_169, %dma_start3A_170, %dma_start3A_171] : memref<3x1024x32xf32, #tpu.memory_space<vmem>> -> memref<1x128x32xf32, #tpu.memory_space<vmem>>
    %dma_start3A_173 = tpu.memref_squeeze %dma_start3A_172 : memref<1x128x32xf32, #tpu.memory_space<vmem>> -> memref<128x32xf32, #tpu.memory_space<vmem>>
    %dma_start3A_174 = arith.constant 0 : i32
    %dma_start3A_175 = tpu.memref_slice %arg5[%dma_start3A_167, %dma_start3A_168, %dma_start3A_174] : memref<3x8x128xi32, #tpu.memory_space<vmem>> -> memref<1x1x128xi32, #tpu.memory_space<vmem>>
    %dma_start3A_176 = tpu.memref_squeeze %dma_start3A_175 : memref<1x1x128xi32, #tpu.memory_space<vmem>> -> memref<128xi32, #tpu.memory_space<vmem>>
    %dma_start3A_177 = arith.constant 0 : i32
    %dma_start3A_178 = arith.constant 0 : i32
    %dma_start3A_179 = tpu.memref_slice %arg3[%dma_start3A_177, %dma_start3A_178] : memref<1000000x32xf32, #tpu.memory_space<hbm>> -> memref<1000000x32xf32, #tpu.memory_space<hbm>>
    tpu.enqueue_indirect_dma source(%dma_start3A_179 : memref<1000000x32xf32, #tpu.memory_space<hbm>>) target(%dma_start3A_173 : memref<128x32xf32, #tpu.memory_space<vmem>>) offsets(%dma_start3A_176 : memref<128xi32, #tpu.memory_space<vmem>>) semaphore(%arg8 : memref<!tpu.dma_semaphore, #tpu.memory_space<semaphore_mem>>)
    %dma_start3A_180 = arith.constant 1 : i32
    %dma_start3A_181 = arith.constant 2 : i32
    %dma_start3A_182 = arith.constant 1 : i32
    %dma_start3A_183 = arith.constant 256 : i32
    %dma_start3A_184 = arith.constant 0 : i32
    %dma_start3A_185 = tpu.memref_slice %arg6[%dma_start3A_182, %dma_start3A_183, %dma_start3A_184] : memref<3x1024x32xf32, #tpu.memory_space<vmem>> -> memref<1x128x32xf32, #tpu.memory_space<vmem>>
    %dma_start3A_186 = tpu.memref_squeeze %dma_start3A_185 : memref<1x128x32xf32, #tpu.memory_space<vmem>> -> memref<128x32xf32, #tpu.memory_space<vmem>>
    %dma_start3A_187 = arith.constant 0 : i32
    %dma_start3A_188 = tpu.memref_slice %arg5[%dma_start3A_180, %dma_start3A_181, %dma_start3A_187] : memref<3x8x128xi32, #tpu.memory_space<vmem>> -> memref<1x1x128xi32, #tpu.memory_space<vmem>>
    %dma_start3A_189 = tpu.memref_squeeze %dma_start3A_188 : memref<1x1x128xi32, #tpu.memory_space<vmem>> -> memref<128xi32, #tpu.memory_space<vmem>>
    %dma_start3A_190 = arith.constant 0 : i32
    %dma_start3A_191 = arith.constant 0 : i32
    %dma_start3A_192 = tpu.memref_slice %arg3[%dma_start3A_190, %dma_start3A_191] : memref<1000000x32xf32, #tpu.memory_space<hbm>> -> memref<1000000x32xf32, #tpu.memory_space<hbm>>
    tpu.enqueue_indirect_dma source(%dma_start3A_192 : memref<1000000x32xf32, #tpu.memory_space<hbm>>) target(%dma_start3A_186 : memref<128x32xf32, #tpu.memory_space<vmem>>) offsets(%dma_start3A_189 : memref<128xi32, #tpu.memory_space<vmem>>) semaphore(%arg8 : memref<!tpu.dma_semaphore, #tpu.memory_space<semaphore_mem>>)
    %dma_start3A_193 = arith.constant 1 : i32
    %dma_start3A_194 = arith.constant 3 : i32
    %dma_start3A_195 = arith.constant 1 : i32
    %dma_start3A_196 = arith.constant 384 : i32
    %dma_start3A_197 = arith.constant 0 : i32
    %dma_start3A_198 = tpu.memref_slice %arg6[%dma_start3A_195, %dma_start3A_196, %dma_start3A_197] : memref<3x1024x32xf32, #tpu.memory_space<vmem>> -> memref<1x128x32xf32, #tpu.memory_space<vmem>>
    %dma_start3A_199 = tpu.memref_squeeze %dma_start3A_198 : memref<1x128x32xf32, #tpu.memory_space<vmem>> -> memref<128x32xf32, #tpu.memory_space<vmem>>
    %dma_start3A_200 = arith.constant 0 : i32
    %dma_start3A_201 = tpu.memref_slice %arg5[%dma_start3A_193, %dma_start3A_194, %dma_start3A_200] : memref<3x8x128xi32, #tpu.memory_space<vmem>> -> memref<1x1x128xi32, #tpu.memory_space<vmem>>
    %dma_start3A_202 = tpu.memref_squeeze %dma_start3A_201 : memref<1x1x128xi32, #tpu.memory_space<vmem>> -> memref<128xi32, #tpu.memory_space<vmem>>
    %dma_start3A_203 = arith.constant 0 : i32
    %dma_start3A_204 = arith.constant 0 : i32
    %dma_start3A_205 = tpu.memref_slice %arg3[%dma_start3A_203, %dma_start3A_204] : memref<1000000x32xf32, #tpu.memory_space<hbm>> -> memref<1000000x32xf32, #tpu.memory_space<hbm>>
    tpu.enqueue_indirect_dma source(%dma_start3A_205 : memref<1000000x32xf32, #tpu.memory_space<hbm>>) target(%dma_start3A_199 : memref<128x32xf32, #tpu.memory_space<vmem>>) offsets(%dma_start3A_202 : memref<128xi32, #tpu.memory_space<vmem>>) semaphore(%arg8 : memref<!tpu.dma_semaphore, #tpu.memory_space<semaphore_mem>>)
    %dma_start3A_206 = arith.constant 1 : i32
    %dma_start3A_207 = arith.constant 4 : i32
    %dma_start3A_208 = arith.constant 1 : i32
    %dma_start3A_209 = arith.constant 512 : i32
    %dma_start3A_210 = arith.constant 0 : i32
    %dma_start3A_211 = tpu.memref_slice %arg6[%dma_start3A_208, %dma_start3A_209, %dma_start3A_210] : memref<3x1024x32xf32, #tpu.memory_space<vmem>> -> memref<1x128x32xf32, #tpu.memory_space<vmem>>
    %dma_start3A_212 = tpu.memref_squeeze %dma_start3A_211 : memref<1x128x32xf32, #tpu.memory_space<vmem>> -> memref<128x32xf32, #tpu.memory_space<vmem>>
    %dma_start3A_213 = arith.constant 0 : i32
    %dma_start3A_214 = tpu.memref_slice %arg5[%dma_start3A_206, %dma_start3A_207, %dma_start3A_213] : memref<3x8x128xi32, #tpu.memory_space<vmem>> -> memref<1x1x128xi32, #tpu.memory_space<vmem>>
    %dma_start3A_215 = tpu.memref_squeeze %dma_start3A_214 : memref<1x1x128xi32, #tpu.memory_space<vmem>> -> memref<128xi32, #tpu.memory_space<vmem>>
    %dma_start3A_216 = arith.constant 0 : i32
    %dma_start3A_217 = arith.constant 0 : i32
    %dma_start3A_218 = tpu.memref_slice %arg3[%dma_start3A_216, %dma_start3A_217] : memref<1000000x32xf32, #tpu.memory_space<hbm>> -> memref<1000000x32xf32, #tpu.memory_space<hbm>>
    tpu.enqueue_indirect_dma source(%dma_start3A_218 : memref<1000000x32xf32, #tpu.memory_space<hbm>>) target(%dma_start3A_212 : memref<128x32xf32, #tpu.memory_space<vmem>>) offsets(%dma_start3A_215 : memref<128xi32, #tpu.memory_space<vmem>>) semaphore(%arg8 : memref<!tpu.dma_semaphore, #tpu.memory_space<semaphore_mem>>)
    %dma_start3A_219 = arith.constant 1 : i32
    %dma_start3A_220 = arith.constant 5 : i32
    %dma_start3A_221 = arith.constant 1 : i32
    %dma_start3A_222 = arith.constant 640 : i32
    %dma_start3A_223 = arith.constant 0 : i32
    %dma_start3A_224 = tpu.memref_slice %arg6[%dma_start3A_221, %dma_start3A_222, %dma_start3A_223] : memref<3x1024x32xf32, #tpu.memory_space<vmem>> -> memref<1x128x32xf32, #tpu.memory_space<vmem>>
    %dma_start3A_225 = tpu.memref_squeeze %dma_start3A_224 : memref<1x128x32xf32, #tpu.memory_space<vmem>> -> memref<128x32xf32, #tpu.memory_space<vmem>>
    %dma_start3A_226 = arith.constant 0 : i32
    %dma_start3A_227 = tpu.memref_slice %arg5[%dma_start3A_219, %dma_start3A_220, %dma_start3A_226] : memref<3x8x128xi32, #tpu.memory_space<vmem>> -> memref<1x1x128xi32, #tpu.memory_space<vmem>>
    %dma_start3A_228 = tpu.memref_squeeze %dma_start3A_227 : memref<1x1x128xi32, #tpu.memory_space<vmem>> -> memref<128xi32, #tpu.memory_space<vmem>>
    %dma_start3A_229 = arith.constant 0 : i32
    %dma_start3A_230 = arith.constant 0 : i32
    %dma_start3A_231 = tpu.memref_slice %arg3[%dma_start3A_229, %dma_start3A_230] : memref<1000000x32xf32, #tpu.memory_space<hbm>> -> memref<1000000x32xf32, #tpu.memory_space<hbm>>
    tpu.enqueue_indirect_dma source(%dma_start3A_231 : memref<1000000x32xf32, #tpu.memory_space<hbm>>) target(%dma_start3A_225 : memref<128x32xf32, #tpu.memory_space<vmem>>) offsets(%dma_start3A_228 : memref<128xi32, #tpu.memory_space<vmem>>) semaphore(%arg8 : memref<!tpu.dma_semaphore, #tpu.memory_space<semaphore_mem>>)
    %dma_start3A_232 = arith.constant 1 : i32
    %dma_start3A_233 = arith.constant 6 : i32
    %dma_start3A_234 = arith.constant 1 : i32
    %dma_start3A_235 = arith.constant 768 : i32
    %dma_start3A_236 = arith.constant 0 : i32
    %dma_start3A_237 = tpu.memref_slice %arg6[%dma_start3A_234, %dma_start3A_235, %dma_start3A_236] : memref<3x1024x32xf32, #tpu.memory_space<vmem>> -> memref<1x128x32xf32, #tpu.memory_space<vmem>>
    %dma_start3A_238 = tpu.memref_squeeze %dma_start3A_237 : memref<1x128x32xf32, #tpu.memory_space<vmem>> -> memref<128x32xf32, #tpu.memory_space<vmem>>
    %dma_start3A_239 = arith.constant 0 : i32
    %dma_start3A_240 = tpu.memref_slice %arg5[%dma_start3A_232, %dma_start3A_233, %dma_start3A_239] : memref<3x8x128xi32, #tpu.memory_space<vmem>> -> memref<1x1x128xi32, #tpu.memory_space<vmem>>
    %dma_start3A_241 = tpu.memref_squeeze %dma_start3A_240 : memref<1x1x128xi32, #tpu.memory_space<vmem>> -> memref<128xi32, #tpu.memory_space<vmem>>
    %dma_start3A_242 = arith.constant 0 : i32
    %dma_start3A_243 = arith.constant 0 : i32
    %dma_start3A_244 = tpu.memref_slice %arg3[%dma_start3A_242, %dma_start3A_243] : memref<1000000x32xf32, #tpu.memory_space<hbm>> -> memref<1000000x32xf32, #tpu.memory_space<hbm>>
    tpu.enqueue_indirect_dma source(%dma_start3A_244 : memref<1000000x32xf32, #tpu.memory_space<hbm>>) target(%dma_start3A_238 : memref<128x32xf32, #tpu.memory_space<vmem>>) offsets(%dma_start3A_241 : memref<128xi32, #tpu.memory_space<vmem>>) semaphore(%arg8 : memref<!tpu.dma_semaphore, #tpu.memory_space<semaphore_mem>>)
    %dma_start3A_245 = arith.constant 1 : i32
    %dma_start3A_246 = arith.constant 7 : i32
    %dma_start3A_247 = arith.constant 1 : i32
    %dma_start3A_248 = arith.constant 896 : i32
    %dma_start3A_249 = arith.constant 0 : i32
    %dma_start3A_250 = tpu.memref_slice %arg6[%dma_start3A_247, %dma_start3A_248, %dma_start3A_249] : memref<3x1024x32xf32, #tpu.memory_space<vmem>> -> memref<1x128x32xf32, #tpu.memory_space<vmem>>
    %dma_start3A_251 = tpu.memref_squeeze %dma_start3A_250 : memref<1x128x32xf32, #tpu.memory_space<vmem>> -> memref<128x32xf32, #tpu.memory_space<vmem>>
    %dma_start3A_252 = arith.constant 0 : i32
    %dma_start3A_253 = tpu.memref_slice %arg5[%dma_start3A_245, %dma_start3A_246, %dma_start3A_252] : memref<3x8x128xi32, #tpu.memory_space<vmem>> -> memref<1x1x128xi32, #tpu.memory_space<vmem>>
    %dma_start3A_254 = tpu.memref_squeeze %dma_start3A_253 : memref<1x1x128xi32, #tpu.memory_space<vmem>> -> memref<128xi32, #tpu.memory_space<vmem>>
    %dma_start3A_255 = arith.constant 0 : i32
    %dma_start3A_256 = arith.constant 0 : i32
    %dma_start3A_257 = tpu.memref_slice %arg3[%dma_start3A_255, %dma_start3A_256] : memref<1000000x32xf32, #tpu.memory_space<hbm>> -> memref<1000000x32xf32, #tpu.memory_space<hbm>>
    tpu.enqueue_indirect_dma source(%dma_start3A_257 : memref<1000000x32xf32, #tpu.memory_space<hbm>>) target(%dma_start3A_251 : memref<128x32xf32, #tpu.memory_space<vmem>>) offsets(%dma_start3A_254 : memref<128xi32, #tpu.memory_space<vmem>>) semaphore(%arg8 : memref<!tpu.dma_semaphore, #tpu.memory_space<semaphore_mem>>)
    %dma_wait3A = arith.constant 0 : i32
    %dma_wait3A_258 = arith.constant 0 : i32
    %dma_wait3A_259 = arith.constant 0 : i32
    %dma_wait3A_260 = tpu.memref_slice %arg6[%dma_wait3A, %dma_wait3A_258, %dma_wait3A_259] : memref<3x1024x32xf32, #tpu.memory_space<vmem>> -> memref<1x1024x32xf32, #tpu.memory_space<vmem>>
    %dma_wait3A_261 = tpu.memref_squeeze %dma_wait3A_260 : memref<1x1024x32xf32, #tpu.memory_space<vmem>> -> memref<1024x32xf32, #tpu.memory_space<vmem>>
    %dma_wait3A_262 = arith.constant 0 : i32
    %dma_wait3A_263 = arith.constant 0 : i32
    %dma_wait3A_264 = tpu.memref_slice %arg4[%dma_wait3A_262, %dma_wait3A_263] : memref<3276800x32xf32, #tpu.memory_space<hbm>> -> memref<1024x32xf32, #tpu.memory_space<hbm>>
    %dma_wait3A_265 = arith.constant 0 : i32
    %dma_wait3A_266 = arith.constant 0 : i32
    %dma_wait3A_267 = tpu.memref_slice %arg6[%dma_wait3A, %dma_wait3A_265, %dma_wait3A_266] : memref<3x1024x32xf32, #tpu.memory_space<vmem>> -> memref<1x1024x32xf32, #tpu.memory_space<vmem>>
    %dma_wait3A_268 = tpu.memref_squeeze %dma_wait3A_267 : memref<1x1024x32xf32, #tpu.memory_space<vmem>> -> memref<1024x32xf32, #tpu.memory_space<vmem>>
    %dma_wait3A_269 = arith.constant 0 : i32
    %dma_wait3A_270 = arith.constant 0 : i32
    %dma_wait3A_271 = tpu.memref_slice %arg4[%dma_wait3A_269, %dma_wait3A_270] : memref<3276800x32xf32, #tpu.memory_space<hbm>> -> memref<1024x32xf32, #tpu.memory_space<hbm>>
    tpu.wait_dma2 semaphore(%arg7 : memref<!tpu.dma_semaphore, #tpu.memory_space<semaphore_mem>>) src(%dma_wait3A_271 : memref<1024x32xf32, #tpu.memory_space<hbm>>) dst(%dma_wait3A_268 : memref<1024x32xf32, #tpu.memory_space<vmem>>)
    %add3A_272 = arith.constant 0 : i32
    %add3A_273 = arith.addi %mul3A_2, %add3A_272 : i32
    %multiple_of3A_274 = tpu.assume_multiple %add3A_273, 1024 : i32
    %dma_start3A_275 = arith.constant 0 : i32
    %dma_start3A_276 = arith.constant 0 : i32
    %dma_start3A_277 = arith.constant 0 : i32
    %dma_start3A_278 = tpu.memref_slice %arg6[%dma_start3A_275, %dma_start3A_276, %dma_start3A_277] : memref<3x1024x32xf32, #tpu.memory_space<vmem>> -> memref<1x1024x32xf32, #tpu.memory_space<vmem>>
    %dma_start3A_279 = tpu.memref_squeeze %dma_start3A_278 : memref<1x1024x32xf32, #tpu.memory_space<vmem>> -> memref<1024x32xf32, #tpu.memory_space<vmem>>
    %dma_start3A_280 = arith.constant 0 : i32
    %dma_start3A_281 = tpu.memref_slice %arg4[%multiple_of3A_274, %dma_start3A_280] : memref<3276800x32xf32, #tpu.memory_space<hbm>> -> memref<1024x32xf32, #tpu.memory_space<hbm>>
    %dma_start3A_282 = arith.constant 0 : i32
    %dma_start3A_283 = tpu.memref_slice %arg4[%multiple_of3A_274, %dma_start3A_282] : memref<3276800x32xf32, #tpu.memory_space<hbm>> -> memref<1024x32xf32, #tpu.memory_space<hbm>>
    %dma_start3A_284 = arith.constant 0 : i32
    %dma_start3A_285 = arith.constant 0 : i32
    %dma_start3A_286 = tpu.memref_slice %arg6[%dma_start3A_275, %dma_start3A_284, %dma_start3A_285] : memref<3x1024x32xf32, #tpu.memory_space<vmem>> -> memref<1x1024x32xf32, #tpu.memory_space<vmem>>
    %dma_start3A_287 = tpu.memref_squeeze %dma_start3A_286 : memref<1x1024x32xf32, #tpu.memory_space<vmem>> -> memref<1024x32xf32, #tpu.memory_space<vmem>>
    tpu.enqueue_dma source(%dma_start3A_287 : memref<1024x32xf32, #tpu.memory_space<vmem>>) target(%dma_start3A_283 : memref<1024x32xf32, #tpu.memory_space<hbm>>) target_semaphore(%arg10 : memref<!tpu.dma_semaphore, #tpu.memory_space<semaphore_mem>>)
    %add3A_288 = arith.constant 2048 : i32
    %add3A_289 = arith.addi %mul3A_2, %add3A_288 : i32
    %multiple_of3A_290 = tpu.assume_multiple %add3A_289, 1024 : i32
    %jit3A_291 = arith.constant 128 : i32
    %div3A_292 = arith.divsi %multiple_of3A_290, %jit3A_291 : i32
    %sign3A_293 = arith.constant 0 : i32
    %sign3A_294 = arith.cmpi sgt, %multiple_of3A_290, %sign3A_293 : i32
    %sign3A_295 = arith.extui %sign3A_294 : i1 to i32
    %sign3A_296 = arith.constant 0 : i32
    %sign3A_297 = arith.cmpi slt, %multiple_of3A_290, %sign3A_296 : i32
    %sign3A_298 = arith.extui %sign3A_297 : i1 to i32
    %sign3A_299 = arith.subi %sign3A_295, %sign3A_298 : i32
    %sign3A_300 = arith.constant 0 : i32
    %sign3A_301 = arith.cmpi sgt, %jit3A_291, %sign3A_300 : i32
    %sign3A_302 = arith.extui %sign3A_301 : i1 to i32
    %sign3A_303 = arith.constant 0 : i32
    %sign3A_304 = arith.cmpi slt, %jit3A_291, %sign3A_303 : i32
    %sign3A_305 = arith.extui %sign3A_304 : i1 to i32
    %sign3A_306 = arith.subi %sign3A_302, %sign3A_305 : i32
    %ne3A_307 = arith.cmpi ne, %sign3A_299, %sign3A_306 : i32
    %rem3A_308 = arith.remsi %multiple_of3A_290, %jit3A_291 : i32
    %ne3A_309 = arith.constant 0 : i32
    %ne3A_310 = arith.cmpi ne, %rem3A_308, %ne3A_309 : i32
    %and3A_311 = arith.andi %ne3A_307, %ne3A_310 : i1
    %sub3A_312 = arith.constant 1 : i32
    %sub3A_313 = arith.subi %div3A_292, %sub3A_312 : i32
    %select_n3A_314 = arith.select %and3A_311, %sub3A_313, %div3A_292 : i32
    %multiple_of3A_315 = tpu.assume_multiple %select_n3A_314, 8 : i32
    %run_scoped3A_316 = arith.constant 2 : i32
    "tpu.region"() ({
      %run_scoped3A_712 = tpu.sem_alloc : memref<!tpu.dma_semaphore, #tpu.memory_space<semaphore_mem>>
      %dma_start3A_713 = arith.constant 0 : i32
      %dma_start3A_714 = arith.constant 0 : i32
      %dma_start3A_715 = tpu.memref_slice %arg5[%run_scoped3A_316, %dma_start3A_713, %dma_start3A_714] : memref<3x8x128xi32, #tpu.memory_space<vmem>> -> memref<1x8x128xi32, #tpu.memory_space<vmem>>
      %dma_start3A_716 = tpu.memref_squeeze %dma_start3A_715 : memref<1x8x128xi32, #tpu.memory_space<vmem>> -> memref<8x128xi32, #tpu.memory_space<vmem>>
      %dma_start3A_717 = arith.constant 0 : i32
      %dma_start3A_718 = tpu.memref_slice %arg2[%multiple_of3A_315, %dma_start3A_717] : memref<25600x128xi32, #tpu.memory_space<hbm>> -> memref<8x128xi32, #tpu.memory_space<hbm>>
      %dma_start3A_719 = arith.constant 0 : i32
      %dma_start3A_720 = arith.constant 0 : i32
      %dma_start3A_721 = tpu.memref_slice %arg5[%run_scoped3A_316, %dma_start3A_719, %dma_start3A_720] : memref<3x8x128xi32, #tpu.memory_space<vmem>> -> memref<1x8x128xi32, #tpu.memory_space<vmem>>
      %dma_start3A_722 = tpu.memref_squeeze %dma_start3A_721 : memref<1x8x128xi32, #tpu.memory_space<vmem>> -> memref<8x128xi32, #tpu.memory_space<vmem>>
      %dma_start3A_723 = arith.constant 0 : i32
      %dma_start3A_724 = tpu.memref_slice %arg2[%multiple_of3A_315, %dma_start3A_723] : memref<25600x128xi32, #tpu.memory_space<hbm>> -> memref<8x128xi32, #tpu.memory_space<hbm>>
      tpu.enqueue_dma source(%dma_start3A_724 : memref<8x128xi32, #tpu.memory_space<hbm>>) target(%dma_start3A_722 : memref<8x128xi32, #tpu.memory_space<vmem>>) target_semaphore(%run_scoped3A_712 : memref<!tpu.dma_semaphore, #tpu.memory_space<semaphore_mem>>)
      %dma_wait3A_725 = arith.constant 0 : i32
      %dma_wait3A_726 = arith.constant 0 : i32
      %dma_wait3A_727 = tpu.memref_slice %arg5[%run_scoped3A_316, %dma_wait3A_725, %dma_wait3A_726] : memref<3x8x128xi32, #tpu.memory_space<vmem>> -> memref<1x8x128xi32, #tpu.memory_space<vmem>>
      %dma_wait3A_728 = tpu.memref_squeeze %dma_wait3A_727 : memref<1x8x128xi32, #tpu.memory_space<vmem>> -> memref<8x128xi32, #tpu.memory_space<vmem>>
      %dma_wait3A_729 = arith.constant 0 : i32
      %dma_wait3A_730 = tpu.memref_slice %arg2[%multiple_of3A_315, %dma_wait3A_729] : memref<25600x128xi32, #tpu.memory_space<hbm>> -> memref<8x128xi32, #tpu.memory_space<hbm>>
      %dma_wait3A_731 = arith.constant 0 : i32
      %dma_wait3A_732 = arith.constant 0 : i32
      %dma_wait3A_733 = tpu.memref_slice %arg5[%run_scoped3A_316, %dma_wait3A_731, %dma_wait3A_732] : memref<3x8x128xi32, #tpu.memory_space<vmem>> -> memref<1x8x128xi32, #tpu.memory_space<vmem>>
      %dma_wait3A_734 = tpu.memref_squeeze %dma_wait3A_733 : memref<1x8x128xi32, #tpu.memory_space<vmem>> -> memref<8x128xi32, #tpu.memory_space<vmem>>
      %dma_wait3A_735 = arith.constant 0 : i32
      %dma_wait3A_736 = tpu.memref_slice %arg2[%multiple_of3A_315, %dma_wait3A_735] : memref<25600x128xi32, #tpu.memory_space<hbm>> -> memref<8x128xi32, #tpu.memory_space<hbm>>
      tpu.wait_dma2 semaphore(%run_scoped3A_712 : memref<!tpu.dma_semaphore, #tpu.memory_space<semaphore_mem>>) src(%dma_wait3A_736 : memref<8x128xi32, #tpu.memory_space<hbm>>) dst(%dma_wait3A_734 : memref<8x128xi32, #tpu.memory_space<vmem>>)
      tpu.yield
    }) : () -> ()
    %dma_start3A_317 = arith.constant 2 : i32
    %dma_start3A_318 = arith.constant 0 : i32
    %dma_start3A_319 = arith.constant 2 : i32
    %dma_start3A_320 = arith.constant 0 : i32
    %dma_start3A_321 = arith.constant 0 : i32
    %dma_start3A_322 = tpu.memref_slice %arg6[%dma_start3A_319, %dma_start3A_320, %dma_start3A_321] : memref<3x1024x32xf32, #tpu.memory_space<vmem>> -> memref<1x128x32xf32, #tpu.memory_space<vmem>>
    %dma_start3A_323 = tpu.memref_squeeze %dma_start3A_322 : memref<1x128x32xf32, #tpu.memory_space<vmem>> -> memref<128x32xf32, #tpu.memory_space<vmem>>
    %dma_start3A_324 = arith.constant 0 : i32
    %dma_start3A_325 = tpu.memref_slice %arg5[%dma_start3A_317, %dma_start3A_318, %dma_start3A_324] : memref<3x8x128xi32, #tpu.memory_space<vmem>> -> memref<1x1x128xi32, #tpu.memory_space<vmem>>
    %dma_start3A_326 = tpu.memref_squeeze %dma_start3A_325 : memref<1x1x128xi32, #tpu.memory_space<vmem>> -> memref<128xi32, #tpu.memory_space<vmem>>
    %dma_start3A_327 = arith.constant 0 : i32
    %dma_start3A_328 = arith.constant 0 : i32
    %dma_start3A_329 = tpu.memref_slice %arg3[%dma_start3A_327, %dma_start3A_328] : memref<1000000x32xf32, #tpu.memory_space<hbm>> -> memref<1000000x32xf32, #tpu.memory_space<hbm>>
    tpu.enqueue_indirect_dma source(%dma_start3A_329 : memref<1000000x32xf32, #tpu.memory_space<hbm>>) target(%dma_start3A_323 : memref<128x32xf32, #tpu.memory_space<vmem>>) offsets(%dma_start3A_326 : memref<128xi32, #tpu.memory_space<vmem>>) semaphore(%arg9 : memref<!tpu.dma_semaphore, #tpu.memory_space<semaphore_mem>>)
    %dma_start3A_330 = arith.constant 2 : i32
    %dma_start3A_331 = arith.constant 1 : i32
    %dma_start3A_332 = arith.constant 2 : i32
    %dma_start3A_333 = arith.constant 128 : i32
    %dma_start3A_334 = arith.constant 0 : i32
    %dma_start3A_335 = tpu.memref_slice %arg6[%dma_start3A_332, %dma_start3A_333, %dma_start3A_334] : memref<3x1024x32xf32, #tpu.memory_space<vmem>> -> memref<1x128x32xf32, #tpu.memory_space<vmem>>
    %dma_start3A_336 = tpu.memref_squeeze %dma_start3A_335 : memref<1x128x32xf32, #tpu.memory_space<vmem>> -> memref<128x32xf32, #tpu.memory_space<vmem>>
    %dma_start3A_337 = arith.constant 0 : i32
    %dma_start3A_338 = tpu.memref_slice %arg5[%dma_start3A_330, %dma_start3A_331, %dma_start3A_337] : memref<3x8x128xi32, #tpu.memory_space<vmem>> -> memref<1x1x128xi32, #tpu.memory_space<vmem>>
    %dma_start3A_339 = tpu.memref_squeeze %dma_start3A_338 : memref<1x1x128xi32, #tpu.memory_space<vmem>> -> memref<128xi32, #tpu.memory_space<vmem>>
    %dma_start3A_340 = arith.constant 0 : i32
    %dma_start3A_341 = arith.constant 0 : i32
    %dma_start3A_342 = tpu.memref_slice %arg3[%dma_start3A_340, %dma_start3A_341] : memref<1000000x32xf32, #tpu.memory_space<hbm>> -> memref<1000000x32xf32, #tpu.memory_space<hbm>>
    tpu.enqueue_indirect_dma source(%dma_start3A_342 : memref<1000000x32xf32, #tpu.memory_space<hbm>>) target(%dma_start3A_336 : memref<128x32xf32, #tpu.memory_space<vmem>>) offsets(%dma_start3A_339 : memref<128xi32, #tpu.memory_space<vmem>>) semaphore(%arg9 : memref<!tpu.dma_semaphore, #tpu.memory_space<semaphore_mem>>)
    %dma_start3A_343 = arith.constant 2 : i32
    %dma_start3A_344 = arith.constant 2 : i32
    %dma_start3A_345 = arith.constant 2 : i32
    %dma_start3A_346 = arith.constant 256 : i32
    %dma_start3A_347 = arith.constant 0 : i32
    %dma_start3A_348 = tpu.memref_slice %arg6[%dma_start3A_345, %dma_start3A_346, %dma_start3A_347] : memref<3x1024x32xf32, #tpu.memory_space<vmem>> -> memref<1x128x32xf32, #tpu.memory_space<vmem>>
    %dma_start3A_349 = tpu.memref_squeeze %dma_start3A_348 : memref<1x128x32xf32, #tpu.memory_space<vmem>> -> memref<128x32xf32, #tpu.memory_space<vmem>>
    %dma_start3A_350 = arith.constant 0 : i32
    %dma_start3A_351 = tpu.memref_slice %arg5[%dma_start3A_343, %dma_start3A_344, %dma_start3A_350] : memref<3x8x128xi32, #tpu.memory_space<vmem>> -> memref<1x1x128xi32, #tpu.memory_space<vmem>>
    %dma_start3A_352 = tpu.memref_squeeze %dma_start3A_351 : memref<1x1x128xi32, #tpu.memory_space<vmem>> -> memref<128xi32, #tpu.memory_space<vmem>>
    %dma_start3A_353 = arith.constant 0 : i32
    %dma_start3A_354 = arith.constant 0 : i32
    %dma_start3A_355 = tpu.memref_slice %arg3[%dma_start3A_353, %dma_start3A_354] : memref<1000000x32xf32, #tpu.memory_space<hbm>> -> memref<1000000x32xf32, #tpu.memory_space<hbm>>
    tpu.enqueue_indirect_dma source(%dma_start3A_355 : memref<1000000x32xf32, #tpu.memory_space<hbm>>) target(%dma_start3A_349 : memref<128x32xf32, #tpu.memory_space<vmem>>) offsets(%dma_start3A_352 : memref<128xi32, #tpu.memory_space<vmem>>) semaphore(%arg9 : memref<!tpu.dma_semaphore, #tpu.memory_space<semaphore_mem>>)
    %dma_start3A_356 = arith.constant 2 : i32
    %dma_start3A_357 = arith.constant 3 : i32
    %dma_start3A_358 = arith.constant 2 : i32
    %dma_start3A_359 = arith.constant 384 : i32
    %dma_start3A_360 = arith.constant 0 : i32
    %dma_start3A_361 = tpu.memref_slice %arg6[%dma_start3A_358, %dma_start3A_359, %dma_start3A_360] : memref<3x1024x32xf32, #tpu.memory_space<vmem>> -> memref<1x128x32xf32, #tpu.memory_space<vmem>>
    %dma_start3A_362 = tpu.memref_squeeze %dma_start3A_361 : memref<1x128x32xf32, #tpu.memory_space<vmem>> -> memref<128x32xf32, #tpu.memory_space<vmem>>
    %dma_start3A_363 = arith.constant 0 : i32
    %dma_start3A_364 = tpu.memref_slice %arg5[%dma_start3A_356, %dma_start3A_357, %dma_start3A_363] : memref<3x8x128xi32, #tpu.memory_space<vmem>> -> memref<1x1x128xi32, #tpu.memory_space<vmem>>
    %dma_start3A_365 = tpu.memref_squeeze %dma_start3A_364 : memref<1x1x128xi32, #tpu.memory_space<vmem>> -> memref<128xi32, #tpu.memory_space<vmem>>
    %dma_start3A_366 = arith.constant 0 : i32
    %dma_start3A_367 = arith.constant 0 : i32
    %dma_start3A_368 = tpu.memref_slice %arg3[%dma_start3A_366, %dma_start3A_367] : memref<1000000x32xf32, #tpu.memory_space<hbm>> -> memref<1000000x32xf32, #tpu.memory_space<hbm>>
    tpu.enqueue_indirect_dma source(%dma_start3A_368 : memref<1000000x32xf32, #tpu.memory_space<hbm>>) target(%dma_start3A_362 : memref<128x32xf32, #tpu.memory_space<vmem>>) offsets(%dma_start3A_365 : memref<128xi32, #tpu.memory_space<vmem>>) semaphore(%arg9 : memref<!tpu.dma_semaphore, #tpu.memory_space<semaphore_mem>>)
    %dma_start3A_369 = arith.constant 2 : i32
    %dma_start3A_370 = arith.constant 4 : i32
    %dma_start3A_371 = arith.constant 2 : i32
    %dma_start3A_372 = arith.constant 512 : i32
    %dma_start3A_373 = arith.constant 0 : i32
    %dma_start3A_374 = tpu.memref_slice %arg6[%dma_start3A_371, %dma_start3A_372, %dma_start3A_373] : memref<3x1024x32xf32, #tpu.memory_space<vmem>> -> memref<1x128x32xf32, #tpu.memory_space<vmem>>
    %dma_start3A_375 = tpu.memref_squeeze %dma_start3A_374 : memref<1x128x32xf32, #tpu.memory_space<vmem>> -> memref<128x32xf32, #tpu.memory_space<vmem>>
    %dma_start3A_376 = arith.constant 0 : i32
    %dma_start3A_377 = tpu.memref_slice %arg5[%dma_start3A_369, %dma_start3A_370, %dma_start3A_376] : memref<3x8x128xi32, #tpu.memory_space<vmem>> -> memref<1x1x128xi32, #tpu.memory_space<vmem>>
    %dma_start3A_378 = tpu.memref_squeeze %dma_start3A_377 : memref<1x1x128xi32, #tpu.memory_space<vmem>> -> memref<128xi32, #tpu.memory_space<vmem>>
    %dma_start3A_379 = arith.constant 0 : i32
    %dma_start3A_380 = arith.constant 0 : i32
    %dma_start3A_381 = tpu.memref_slice %arg3[%dma_start3A_379, %dma_start3A_380] : memref<1000000x32xf32, #tpu.memory_space<hbm>> -> memref<1000000x32xf32, #tpu.memory_space<hbm>>
    tpu.enqueue_indirect_dma source(%dma_start3A_381 : memref<1000000x32xf32, #tpu.memory_space<hbm>>) target(%dma_start3A_375 : memref<128x32xf32, #tpu.memory_space<vmem>>) offsets(%dma_start3A_378 : memref<128xi32, #tpu.memory_space<vmem>>) semaphore(%arg9 : memref<!tpu.dma_semaphore, #tpu.memory_space<semaphore_mem>>)
    %dma_start3A_382 = arith.constant 2 : i32
    %dma_start3A_383 = arith.constant 5 : i32
    %dma_start3A_384 = arith.constant 2 : i32
    %dma_start3A_385 = arith.constant 640 : i32
    %dma_start3A_386 = arith.constant 0 : i32
    %dma_start3A_387 = tpu.memref_slice %arg6[%dma_start3A_384, %dma_start3A_385, %dma_start3A_386] : memref<3x1024x32xf32, #tpu.memory_space<vmem>> -> memref<1x128x32xf32, #tpu.memory_space<vmem>>
    %dma_start3A_388 = tpu.memref_squeeze %dma_start3A_387 : memref<1x128x32xf32, #tpu.memory_space<vmem>> -> memref<128x32xf32, #tpu.memory_space<vmem>>
    %dma_start3A_389 = arith.constant 0 : i32
    %dma_start3A_390 = tpu.memref_slice %arg5[%dma_start3A_382, %dma_start3A_383, %dma_start3A_389] : memref<3x8x128xi32, #tpu.memory_space<vmem>> -> memref<1x1x128xi32, #tpu.memory_space<vmem>>
    %dma_start3A_391 = tpu.memref_squeeze %dma_start3A_390 : memref<1x1x128xi32, #tpu.memory_space<vmem>> -> memref<128xi32, #tpu.memory_space<vmem>>
    %dma_start3A_392 = arith.constant 0 : i32
    %dma_start3A_393 = arith.constant 0 : i32
    %dma_start3A_394 = tpu.memref_slice %arg3[%dma_start3A_392, %dma_start3A_393] : memref<1000000x32xf32, #tpu.memory_space<hbm>> -> memref<1000000x32xf32, #tpu.memory_space<hbm>>
    tpu.enqueue_indirect_dma source(%dma_start3A_394 : memref<1000000x32xf32, #tpu.memory_space<hbm>>) target(%dma_start3A_388 : memref<128x32xf32, #tpu.memory_space<vmem>>) offsets(%dma_start3A_391 : memref<128xi32, #tpu.memory_space<vmem>>) semaphore(%arg9 : memref<!tpu.dma_semaphore, #tpu.memory_space<semaphore_mem>>)
    %dma_start3A_395 = arith.constant 2 : i32
    %dma_start3A_396 = arith.constant 6 : i32
    %dma_start3A_397 = arith.constant 2 : i32
    %dma_start3A_398 = arith.constant 768 : i32
    %dma_start3A_399 = arith.constant 0 : i32
    %dma_start3A_400 = tpu.memref_slice %arg6[%dma_start3A_397, %dma_start3A_398, %dma_start3A_399] : memref<3x1024x32xf32, #tpu.memory_space<vmem>> -> memref<1x128x32xf32, #tpu.memory_space<vmem>>
    %dma_start3A_401 = tpu.memref_squeeze %dma_start3A_400 : memref<1x128x32xf32, #tpu.memory_space<vmem>> -> memref<128x32xf32, #tpu.memory_space<vmem>>
    %dma_start3A_402 = arith.constant 0 : i32
    %dma_start3A_403 = tpu.memref_slice %arg5[%dma_start3A_395, %dma_start3A_396, %dma_start3A_402] : memref<3x8x128xi32, #tpu.memory_space<vmem>> -> memref<1x1x128xi32, #tpu.memory_space<vmem>>
    %dma_start3A_404 = tpu.memref_squeeze %dma_start3A_403 : memref<1x1x128xi32, #tpu.memory_space<vmem>> -> memref<128xi32, #tpu.memory_space<vmem>>
    %dma_start3A_405 = arith.constant 0 : i32
    %dma_start3A_406 = arith.constant 0 : i32
    %dma_start3A_407 = tpu.memref_slice %arg3[%dma_start3A_405, %dma_start3A_406] : memref<1000000x32xf32, #tpu.memory_space<hbm>> -> memref<1000000x32xf32, #tpu.memory_space<hbm>>
    tpu.enqueue_indirect_dma source(%dma_start3A_407 : memref<1000000x32xf32, #tpu.memory_space<hbm>>) target(%dma_start3A_401 : memref<128x32xf32, #tpu.memory_space<vmem>>) offsets(%dma_start3A_404 : memref<128xi32, #tpu.memory_space<vmem>>) semaphore(%arg9 : memref<!tpu.dma_semaphore, #tpu.memory_space<semaphore_mem>>)
    %dma_start3A_408 = arith.constant 2 : i32
    %dma_start3A_409 = arith.constant 7 : i32
    %dma_start3A_410 = arith.constant 2 : i32
    %dma_start3A_411 = arith.constant 896 : i32
    %dma_start3A_412 = arith.constant 0 : i32
    %dma_start3A_413 = tpu.memref_slice %arg6[%dma_start3A_410, %dma_start3A_411, %dma_start3A_412] : memref<3x1024x32xf32, #tpu.memory_space<vmem>> -> memref<1x128x32xf32, #tpu.memory_space<vmem>>
    %dma_start3A_414 = tpu.memref_squeeze %dma_start3A_413 : memref<1x128x32xf32, #tpu.memory_space<vmem>> -> memref<128x32xf32, #tpu.memory_space<vmem>>
    %dma_start3A_415 = arith.constant 0 : i32
    %dma_start3A_416 = tpu.memref_slice %arg5[%dma_start3A_408, %dma_start3A_409, %dma_start3A_415] : memref<3x8x128xi32, #tpu.memory_space<vmem>> -> memref<1x1x128xi32, #tpu.memory_space<vmem>>
    %dma_start3A_417 = tpu.memref_squeeze %dma_start3A_416 : memref<1x1x128xi32, #tpu.memory_space<vmem>> -> memref<128xi32, #tpu.memory_space<vmem>>
    %dma_start3A_418 = arith.constant 0 : i32
    %dma_start3A_419 = arith.constant 0 : i32
    %dma_start3A_420 = tpu.memref_slice %arg3[%dma_start3A_418, %dma_start3A_419] : memref<1000000x32xf32, #tpu.memory_space<hbm>> -> memref<1000000x32xf32, #tpu.memory_space<hbm>>
    tpu.enqueue_indirect_dma source(%dma_start3A_420 : memref<1000000x32xf32, #tpu.memory_space<hbm>>) target(%dma_start3A_414 : memref<128x32xf32, #tpu.memory_space<vmem>>) offsets(%dma_start3A_417 : memref<128xi32, #tpu.memory_space<vmem>>) semaphore(%arg9 : memref<!tpu.dma_semaphore, #tpu.memory_space<semaphore_mem>>)
    %dma_wait3A_421 = arith.constant 1 : i32
    %dma_wait3A_422 = arith.constant 0 : i32
    %dma_wait3A_423 = arith.constant 0 : i32
    %dma_wait3A_424 = tpu.memref_slice %arg6[%dma_wait3A_421, %dma_wait3A_422, %dma_wait3A_423] : memref<3x1024x32xf32, #tpu.memory_space<vmem>> -> memref<1x1024x32xf32, #tpu.memory_space<vmem>>
    %dma_wait3A_425 = tpu.memref_squeeze %dma_wait3A_424 : memref<1x1024x32xf32, #tpu.memory_space<vmem>> -> memref<1024x32xf32, #tpu.memory_space<vmem>>
    %dma_wait3A_426 = arith.constant 0 : i32
    %dma_wait3A_427 = arith.constant 0 : i32
    %dma_wait3A_428 = tpu.memref_slice %arg4[%dma_wait3A_426, %dma_wait3A_427] : memref<3276800x32xf32, #tpu.memory_space<hbm>> -> memref<1024x32xf32, #tpu.memory_space<hbm>>
    %dma_wait3A_429 = arith.constant 0 : i32
    %dma_wait3A_430 = arith.constant 0 : i32
    %dma_wait3A_431 = tpu.memref_slice %arg6[%dma_wait3A_421, %dma_wait3A_429, %dma_wait3A_430] : memref<3x1024x32xf32, #tpu.memory_space<vmem>> -> memref<1x1024x32xf32, #tpu.memory_space<vmem>>
    %dma_wait3A_432 = tpu.memref_squeeze %dma_wait3A_431 : memref<1x1024x32xf32, #tpu.memory_space<vmem>> -> memref<1024x32xf32, #tpu.memory_space<vmem>>
    %dma_wait3A_433 = arith.constant 0 : i32
    %dma_wait3A_434 = arith.constant 0 : i32
    %dma_wait3A_435 = tpu.memref_slice %arg4[%dma_wait3A_433, %dma_wait3A_434] : memref<3276800x32xf32, #tpu.memory_space<hbm>> -> memref<1024x32xf32, #tpu.memory_space<hbm>>
    tpu.wait_dma2 semaphore(%arg8 : memref<!tpu.dma_semaphore, #tpu.memory_space<semaphore_mem>>) src(%dma_wait3A_435 : memref<1024x32xf32, #tpu.memory_space<hbm>>) dst(%dma_wait3A_432 : memref<1024x32xf32, #tpu.memory_space<vmem>>)
    %add3A_436 = arith.constant 1024 : i32
    %add3A_437 = arith.addi %mul3A_2, %add3A_436 : i32
    %multiple_of3A_438 = tpu.assume_multiple %add3A_437, 1024 : i32
    %dma_start3A_439 = arith.constant 1 : i32
    %dma_start3A_440 = arith.constant 0 : i32
    %dma_start3A_441 = arith.constant 0 : i32
    %dma_start3A_442 = tpu.memref_slice %arg6[%dma_start3A_439, %dma_start3A_440, %dma_start3A_441] : memref<3x1024x32xf32, #tpu.memory_space<vmem>> -> memref<1x1024x32xf32, #tpu.memory_space<vmem>>
    %dma_start3A_443 = tpu.memref_squeeze %dma_start3A_442 : memref<1x1024x32xf32, #tpu.memory_space<vmem>> -> memref<1024x32xf32, #tpu.memory_space<vmem>>
    %dma_start3A_444 = arith.constant 0 : i32
    %dma_start3A_445 = tpu.memref_slice %arg4[%multiple_of3A_438, %dma_start3A_444] : memref<3276800x32xf32, #tpu.memory_space<hbm>> -> memref<1024x32xf32, #tpu.memory_space<hbm>>
    %dma_start3A_446 = arith.constant 0 : i32
    %dma_start3A_447 = tpu.memref_slice %arg4[%multiple_of3A_438, %dma_start3A_446] : memref<3276800x32xf32, #tpu.memory_space<hbm>> -> memref<1024x32xf32, #tpu.memory_space<hbm>>
    %dma_start3A_448 = arith.constant 0 : i32
    %dma_start3A_449 = arith.constant 0 : i32
    %dma_start3A_450 = tpu.memref_slice %arg6[%dma_start3A_439, %dma_start3A_448, %dma_start3A_449] : memref<3x1024x32xf32, #tpu.memory_space<vmem>> -> memref<1x1024x32xf32, #tpu.memory_space<vmem>>
    %dma_start3A_451 = tpu.memref_squeeze %dma_start3A_450 : memref<1x1024x32xf32, #tpu.memory_space<vmem>> -> memref<1024x32xf32, #tpu.memory_space<vmem>>
    tpu.enqueue_dma source(%dma_start3A_451 : memref<1024x32xf32, #tpu.memory_space<vmem>>) target(%dma_start3A_447 : memref<1024x32xf32, #tpu.memory_space<hbm>>) target_semaphore(%arg11 : memref<!tpu.dma_semaphore, #tpu.memory_space<semaphore_mem>>)
    %scan3A = arith.constant 0 : i32
    %scan3A_452 = arith.constant 1 : i32
    %scan3A_453 = arith.constant 32 : i32
    %scan3A_454 = arith.addi %scan3A_452, %scan3A_453 : i32
    %scan3A_455 = arith.constant 1 : i32
    scf.for %scan3A_712 = %scan3A_452 to %scan3A_454 step %scan3A_455  : i32 {
      %mul3A_713 = arith.constant 3 : i32
      %mul3A_714 = arith.muli %scan3A_712, %mul3A_713 : i32
      %add3A_715 = arith.constant 0 : i32
      %add3A_716 = arith.addi %mul3A_714, %add3A_715 : i32
      %dma_wait3A_717 = arith.constant 0 : i32
      %dma_wait3A_718 = arith.constant 0 : i32
      %dma_wait3A_719 = arith.constant 0 : i32
      %dma_wait3A_720 = tpu.memref_slice %arg6[%dma_wait3A_717, %dma_wait3A_718, %dma_wait3A_719] : memref<3x1024x32xf32, #tpu.memory_space<vmem>> -> memref<1x1024x32xf32, #tpu.memory_space<vmem>>
      %dma_wait3A_721 = tpu.memref_squeeze %dma_wait3A_720 : memref<1x1024x32xf32, #tpu.memory_space<vmem>> -> memref<1024x32xf32, #tpu.memory_space<vmem>>
      %dma_wait3A_722 = arith.constant 0 : i32
      %dma_wait3A_723 = arith.constant 0 : i32
      %dma_wait3A_724 = tpu.memref_slice %arg4[%dma_wait3A_722, %dma_wait3A_723] : memref<3276800x32xf32, #tpu.memory_space<hbm>> -> memref<1024x32xf32, #tpu.memory_space<hbm>>
      %dma_wait3A_725 = arith.constant 0 : i32
      %dma_wait3A_726 = arith.constant 0 : i32
      %dma_wait3A_727 = tpu.memref_slice %arg6[%dma_wait3A_717, %dma_wait3A_725, %dma_wait3A_726] : memref<3x1024x32xf32, #tpu.memory_space<vmem>> -> memref<1x1024x32xf32, #tpu.memory_space<vmem>>
      %dma_wait3A_728 = tpu.memref_squeeze %dma_wait3A_727 : memref<1x1024x32xf32, #tpu.memory_space<vmem>> -> memref<1024x32xf32, #tpu.memory_space<vmem>>
      %dma_wait3A_729 = arith.constant 0 : i32
      %dma_wait3A_730 = arith.constant 0 : i32
      %dma_wait3A_731 = tpu.memref_slice %arg4[%dma_wait3A_729, %dma_wait3A_730] : memref<3276800x32xf32, #tpu.memory_space<hbm>> -> memref<1024x32xf32, #tpu.memory_space<hbm>>
      tpu.wait_dma2 semaphore(%arg10 : memref<!tpu.dma_semaphore, #tpu.memory_space<semaphore_mem>>) src(%dma_wait3A_731 : memref<1024x32xf32, #tpu.memory_space<hbm>>) dst(%dma_wait3A_728 : memref<1024x32xf32, #tpu.memory_space<vmem>>)
      %mul3A_732 = arith.constant 1024 : i32
      %mul3A_733 = arith.muli %add3A_716, %mul3A_732 : i32
      %add3A_734 = arith.addi %mul3A_2, %mul3A_733 : i32
      %multiple_of3A_735 = tpu.assume_multiple %add3A_734, 1024 : i32
      %jit3A_736 = arith.constant 128 : i32
      %div3A_737 = arith.divsi %multiple_of3A_735, %jit3A_736 : i32
      %sign3A_738 = arith.constant 0 : i32
      %sign3A_739 = arith.cmpi sgt, %multiple_of3A_735, %sign3A_738 : i32
      %sign3A_740 = arith.extui %sign3A_739 : i1 to i32
      %sign3A_741 = arith.constant 0 : i32
      %sign3A_742 = arith.cmpi slt, %multiple_of3A_735, %sign3A_741 : i32
      %sign3A_743 = arith.extui %sign3A_742 : i1 to i32
      %sign3A_744 = arith.subi %sign3A_740, %sign3A_743 : i32
      %sign3A_745 = arith.constant 0 : i32
      %sign3A_746 = arith.cmpi sgt, %jit3A_736, %sign3A_745 : i32
      %sign3A_747 = arith.extui %sign3A_746 : i1 to i32
      %sign3A_748 = arith.constant 0 : i32
      %sign3A_749 = arith.cmpi slt, %jit3A_736, %sign3A_748 : i32
      %sign3A_750 = arith.extui %sign3A_749 : i1 to i32
      %sign3A_751 = arith.subi %sign3A_747, %sign3A_750 : i32
      %ne3A_752 = arith.cmpi ne, %sign3A_744, %sign3A_751 : i32
      %rem3A_753 = arith.remsi %multiple_of3A_735, %jit3A_736 : i32
      %ne3A_754 = arith.constant 0 : i32
      %ne3A_755 = arith.cmpi ne, %rem3A_753, %ne3A_754 : i32
      %and3A_756 = arith.andi %ne3A_752, %ne3A_755 : i1
      %sub3A_757 = arith.constant 1 : i32
      %sub3A_758 = arith.subi %div3A_737, %sub3A_757 : i32
      %select_n3A_759 = arith.select %and3A_756, %sub3A_758, %div3A_737 : i32
      %multiple_of3A_760 = tpu.assume_multiple %select_n3A_759, 8 : i32
      %run_scoped3A_761 = arith.constant 0 : i32
      "tpu.region"() ({
        %run_scoped3A_1274 = tpu.sem_alloc : memref<!tpu.dma_semaphore, #tpu.memory_space<semaphore_mem>>
        %dma_start3A_1275 = arith.constant 0 : i32
        %dma_start3A_1276 = arith.constant 0 : i32
        %dma_start3A_1277 = tpu.memref_slice %arg5[%run_scoped3A_761, %dma_start3A_1275, %dma_start3A_1276] : memref<3x8x128xi32, #tpu.memory_space<vmem>> -> memref<1x8x128xi32, #tpu.memory_space<vmem>>
        %dma_start3A_1278 = tpu.memref_squeeze %dma_start3A_1277 : memref<1x8x128xi32, #tpu.memory_space<vmem>> -> memref<8x128xi32, #tpu.memory_space<vmem>>
        %dma_start3A_1279 = arith.constant 0 : i32
        %dma_start3A_1280 = tpu.memref_slice %arg2[%multiple_of3A_760, %dma_start3A_1279] : memref<25600x128xi32, #tpu.memory_space<hbm>> -> memref<8x128xi32, #tpu.memory_space<hbm>>
        %dma_start3A_1281 = arith.constant 0 : i32
        %dma_start3A_1282 = arith.constant 0 : i32
        %dma_start3A_1283 = tpu.memref_slice %arg5[%run_scoped3A_761, %dma_start3A_1281, %dma_start3A_1282] : memref<3x8x128xi32, #tpu.memory_space<vmem>> -> memref<1x8x128xi32, #tpu.memory_space<vmem>>
        %dma_start3A_1284 = tpu.memref_squeeze %dma_start3A_1283 : memref<1x8x128xi32, #tpu.memory_space<vmem>> -> memref<8x128xi32, #tpu.memory_space<vmem>>
        %dma_start3A_1285 = arith.constant 0 : i32
        %dma_start3A_1286 = tpu.memref_slice %arg2[%multiple_of3A_760, %dma_start3A_1285] : memref<25600x128xi32, #tpu.memory_space<hbm>> -> memref<8x128xi32, #tpu.memory_space<hbm>>
        tpu.enqueue_dma source(%dma_start3A_1286 : memref<8x128xi32, #tpu.memory_space<hbm>>) target(%dma_start3A_1284 : memref<8x128xi32, #tpu.memory_space<vmem>>) target_semaphore(%run_scoped3A_1274 : memref<!tpu.dma_semaphore, #tpu.memory_space<semaphore_mem>>)
        %dma_wait3A_1287 = arith.constant 0 : i32
        %dma_wait3A_1288 = arith.constant 0 : i32
        %dma_wait3A_1289 = tpu.memref_slice %arg5[%run_scoped3A_761, %dma_wait3A_1287, %dma_wait3A_1288] : memref<3x8x128xi32, #tpu.memory_space<vmem>> -> memref<1x8x128xi32, #tpu.memory_space<vmem>>
        %dma_wait3A_1290 = tpu.memref_squeeze %dma_wait3A_1289 : memref<1x8x128xi32, #tpu.memory_space<vmem>> -> memref<8x128xi32, #tpu.memory_space<vmem>>
        %dma_wait3A_1291 = arith.constant 0 : i32
        %dma_wait3A_1292 = tpu.memref_slice %arg2[%multiple_of3A_760, %dma_wait3A_1291] : memref<25600x128xi32, #tpu.memory_space<hbm>> -> memref<8x128xi32, #tpu.memory_space<hbm>>
        %dma_wait3A_1293 = arith.constant 0 : i32
        %dma_wait3A_1294 = arith.constant 0 : i32
        %dma_wait3A_1295 = tpu.memref_slice %arg5[%run_scoped3A_761, %dma_wait3A_1293, %dma_wait3A_1294] : memref<3x8x128xi32, #tpu.memory_space<vmem>> -> memref<1x8x128xi32, #tpu.memory_space<vmem>>
        %dma_wait3A_1296 = tpu.memref_squeeze %dma_wait3A_1295 : memref<1x8x128xi32, #tpu.memory_space<vmem>> -> memref<8x128xi32, #tpu.memory_space<vmem>>
        %dma_wait3A_1297 = arith.constant 0 : i32
        %dma_wait3A_1298 = tpu.memref_slice %arg2[%multiple_of3A_760, %dma_wait3A_1297] : memref<25600x128xi32, #tpu.memory_space<hbm>> -> memref<8x128xi32, #tpu.memory_space<hbm>>
        tpu.wait_dma2 semaphore(%run_scoped3A_1274 : memref<!tpu.dma_semaphore, #tpu.memory_space<semaphore_mem>>) src(%dma_wait3A_1298 : memref<8x128xi32, #tpu.memory_space<hbm>>) dst(%dma_wait3A_1296 : memref<8x128xi32, #tpu.memory_space<vmem>>)
        tpu.yield
      }) : () -> ()
      %dma_start3A_762 = arith.constant 0 : i32
      %dma_start3A_763 = arith.constant 0 : i32
      %dma_start3A_764 = arith.constant 0 : i32
      %dma_start3A_765 = arith.constant 0 : i32
      %dma_start3A_766 = arith.constant 0 : i32
      %dma_start3A_767 = tpu.memref_slice %arg6[%dma_start3A_764, %dma_start3A_765, %dma_start3A_766] : memref<3x1024x32xf32, #tpu.memory_space<vmem>> -> memref<1x128x32xf32, #tpu.memory_space<vmem>>
      %dma_start3A_768 = tpu.memref_squeeze %dma_start3A_767 : memref<1x128x32xf32, #tpu.memory_space<vmem>> -> memref<128x32xf32, #tpu.memory_space<vmem>>
      %dma_start3A_769 = arith.constant 0 : i32
      %dma_start3A_770 = tpu.memref_slice %arg5[%dma_start3A_762, %dma_start3A_763, %dma_start3A_769] : memref<3x8x128xi32, #tpu.memory_space<vmem>> -> memref<1x1x128xi32, #tpu.memory_space<vmem>>
      %dma_start3A_771 = tpu.memref_squeeze %dma_start3A_770 : memref<1x1x128xi32, #tpu.memory_space<vmem>> -> memref<128xi32, #tpu.memory_space<vmem>>
      %dma_start3A_772 = arith.constant 0 : i32
      %dma_start3A_773 = arith.constant 0 : i32
      %dma_start3A_774 = tpu.memref_slice %arg3[%dma_start3A_772, %dma_start3A_773] : memref<1000000x32xf32, #tpu.memory_space<hbm>> -> memref<1000000x32xf32, #tpu.memory_space<hbm>>
      tpu.enqueue_indirect_dma source(%dma_start3A_774 : memref<1000000x32xf32, #tpu.memory_space<hbm>>) target(%dma_start3A_768 : memref<128x32xf32, #tpu.memory_space<vmem>>) offsets(%dma_start3A_771 : memref<128xi32, #tpu.memory_space<vmem>>) semaphore(%arg7 : memref<!tpu.dma_semaphore, #tpu.memory_space<semaphore_mem>>)
      %dma_start3A_775 = arith.constant 0 : i32
      %dma_start3A_776 = arith.constant 1 : i32
      %dma_start3A_777 = arith.constant 0 : i32
      %dma_start3A_778 = arith.constant 128 : i32
      %dma_start3A_779 = arith.constant 0 : i32
      %dma_start3A_780 = tpu.memref_slice %arg6[%dma_start3A_777, %dma_start3A_778, %dma_start3A_779] : memref<3x1024x32xf32, #tpu.memory_space<vmem>> -> memref<1x128x32xf32, #tpu.memory_space<vmem>>
      %dma_start3A_781 = tpu.memref_squeeze %dma_start3A_780 : memref<1x128x32xf32, #tpu.memory_space<vmem>> -> memref<128x32xf32, #tpu.memory_space<vmem>>
      %dma_start3A_782 = arith.constant 0 : i32
      %dma_start3A_783 = tpu.memref_slice %arg5[%dma_start3A_775, %dma_start3A_776, %dma_start3A_782] : memref<3x8x128xi32, #tpu.memory_space<vmem>> -> memref<1x1x128xi32, #tpu.memory_space<vmem>>
      %dma_start3A_784 = tpu.memref_squeeze %dma_start3A_783 : memref<1x1x128xi32, #tpu.memory_space<vmem>> -> memref<128xi32, #tpu.memory_space<vmem>>
      %dma_start3A_785 = arith.constant 0 : i32
      %dma_start3A_786 = arith.constant 0 : i32
      %dma_start3A_787 = tpu.memref_slice %arg3[%dma_start3A_785, %dma_start3A_786] : memref<1000000x32xf32, #tpu.memory_space<hbm>> -> memref<1000000x32xf32, #tpu.memory_space<hbm>>
      tpu.enqueue_indirect_dma source(%dma_start3A_787 : memref<1000000x32xf32, #tpu.memory_space<hbm>>) target(%dma_start3A_781 : memref<128x32xf32, #tpu.memory_space<vmem>>) offsets(%dma_start3A_784 : memref<128xi32, #tpu.memory_space<vmem>>) semaphore(%arg7 : memref<!tpu.dma_semaphore, #tpu.memory_space<semaphore_mem>>)
      %dma_start3A_788 = arith.constant 0 : i32
      %dma_start3A_789 = arith.constant 2 : i32
      %dma_start3A_790 = arith.constant 0 : i32
      %dma_start3A_791 = arith.constant 256 : i32
      %dma_start3A_792 = arith.constant 0 : i32
      %dma_start3A_793 = tpu.memref_slice %arg6[%dma_start3A_790, %dma_start3A_791, %dma_start3A_792] : memref<3x1024x32xf32, #tpu.memory_space<vmem>> -> memref<1x128x32xf32, #tpu.memory_space<vmem>>
      %dma_start3A_794 = tpu.memref_squeeze %dma_start3A_793 : memref<1x128x32xf32, #tpu.memory_space<vmem>> -> memref<128x32xf32, #tpu.memory_space<vmem>>
      %dma_start3A_795 = arith.constant 0 : i32
      %dma_start3A_796 = tpu.memref_slice %arg5[%dma_start3A_788, %dma_start3A_789, %dma_start3A_795] : memref<3x8x128xi32, #tpu.memory_space<vmem>> -> memref<1x1x128xi32, #tpu.memory_space<vmem>>
      %dma_start3A_797 = tpu.memref_squeeze %dma_start3A_796 : memref<1x1x128xi32, #tpu.memory_space<vmem>> -> memref<128xi32, #tpu.memory_space<vmem>>
      %dma_start3A_798 = arith.constant 0 : i32
      %dma_start3A_799 = arith.constant 0 : i32
      %dma_start3A_800 = tpu.memref_slice %arg3[%dma_start3A_798, %dma_start3A_799] : memref<1000000x32xf32, #tpu.memory_space<hbm>> -> memref<1000000x32xf32, #tpu.memory_space<hbm>>
      tpu.enqueue_indirect_dma source(%dma_start3A_800 : memref<1000000x32xf32, #tpu.memory_space<hbm>>) target(%dma_start3A_794 : memref<128x32xf32, #tpu.memory_space<vmem>>) offsets(%dma_start3A_797 : memref<128xi32, #tpu.memory_space<vmem>>) semaphore(%arg7 : memref<!tpu.dma_semaphore, #tpu.memory_space<semaphore_mem>>)
      %dma_start3A_801 = arith.constant 0 : i32
      %dma_start3A_802 = arith.constant 3 : i32
      %dma_start3A_803 = arith.constant 0 : i32
      %dma_start3A_804 = arith.constant 384 : i32
      %dma_start3A_805 = arith.constant 0 : i32
      %dma_start3A_806 = tpu.memref_slice %arg6[%dma_start3A_803, %dma_start3A_804, %dma_start3A_805] : memref<3x1024x32xf32, #tpu.memory_space<vmem>> -> memref<1x128x32xf32, #tpu.memory_space<vmem>>
      %dma_start3A_807 = tpu.memref_squeeze %dma_start3A_806 : memref<1x128x32xf32, #tpu.memory_space<vmem>> -> memref<128x32xf32, #tpu.memory_space<vmem>>
      %dma_start3A_808 = arith.constant 0 : i32
      %dma_start3A_809 = tpu.memref_slice %arg5[%dma_start3A_801, %dma_start3A_802, %dma_start3A_808] : memref<3x8x128xi32, #tpu.memory_space<vmem>> -> memref<1x1x128xi32, #tpu.memory_space<vmem>>
      %dma_start3A_810 = tpu.memref_squeeze %dma_start3A_809 : memref<1x1x128xi32, #tpu.memory_space<vmem>> -> memref<128xi32, #tpu.memory_space<vmem>>
      %dma_start3A_811 = arith.constant 0 : i32
      %dma_start3A_812 = arith.constant 0 : i32
      %dma_start3A_813 = tpu.memref_slice %arg3[%dma_start3A_811, %dma_start3A_812] : memref<1000000x32xf32, #tpu.memory_space<hbm>> -> memref<1000000x32xf32, #tpu.memory_space<hbm>>
      tpu.enqueue_indirect_dma source(%dma_start3A_813 : memref<1000000x32xf32, #tpu.memory_space<hbm>>) target(%dma_start3A_807 : memref<128x32xf32, #tpu.memory_space<vmem>>) offsets(%dma_start3A_810 : memref<128xi32, #tpu.memory_space<vmem>>) semaphore(%arg7 : memref<!tpu.dma_semaphore, #tpu.memory_space<semaphore_mem>>)
      %dma_start3A_814 = arith.constant 0 : i32
      %dma_start3A_815 = arith.constant 4 : i32
      %dma_start3A_816 = arith.constant 0 : i32
      %dma_start3A_817 = arith.constant 512 : i32
      %dma_start3A_818 = arith.constant 0 : i32
      %dma_start3A_819 = tpu.memref_slice %arg6[%dma_start3A_816, %dma_start3A_817, %dma_start3A_818] : memref<3x1024x32xf32, #tpu.memory_space<vmem>> -> memref<1x128x32xf32, #tpu.memory_space<vmem>>
      %dma_start3A_820 = tpu.memref_squeeze %dma_start3A_819 : memref<1x128x32xf32, #tpu.memory_space<vmem>> -> memref<128x32xf32, #tpu.memory_space<vmem>>
      %dma_start3A_821 = arith.constant 0 : i32
      %dma_start3A_822 = tpu.memref_slice %arg5[%dma_start3A_814, %dma_start3A_815, %dma_start3A_821] : memref<3x8x128xi32, #tpu.memory_space<vmem>> -> memref<1x1x128xi32, #tpu.memory_space<vmem>>
      %dma_start3A_823 = tpu.memref_squeeze %dma_start3A_822 : memref<1x1x128xi32, #tpu.memory_space<vmem>> -> memref<128xi32, #tpu.memory_space<vmem>>
      %dma_start3A_824 = arith.constant 0 : i32
      %dma_start3A_825 = arith.constant 0 : i32
      %dma_start3A_826 = tpu.memref_slice %arg3[%dma_start3A_824, %dma_start3A_825] : memref<1000000x32xf32, #tpu.memory_space<hbm>> -> memref<1000000x32xf32, #tpu.memory_space<hbm>>
      tpu.enqueue_indirect_dma source(%dma_start3A_826 : memref<1000000x32xf32, #tpu.memory_space<hbm>>) target(%dma_start3A_820 : memref<128x32xf32, #tpu.memory_space<vmem>>) offsets(%dma_start3A_823 : memref<128xi32, #tpu.memory_space<vmem>>) semaphore(%arg7 : memref<!tpu.dma_semaphore, #tpu.memory_space<semaphore_mem>>)
      %dma_start3A_827 = arith.constant 0 : i32
      %dma_start3A_828 = arith.constant 5 : i32
      %dma_start3A_829 = arith.constant 0 : i32
      %dma_start3A_830 = arith.constant 640 : i32
      %dma_start3A_831 = arith.constant 0 : i32
      %dma_start3A_832 = tpu.memref_slice %arg6[%dma_start3A_829, %dma_start3A_830, %dma_start3A_831] : memref<3x1024x32xf32, #tpu.memory_space<vmem>> -> memref<1x128x32xf32, #tpu.memory_space<vmem>>
      %dma_start3A_833 = tpu.memref_squeeze %dma_start3A_832 : memref<1x128x32xf32, #tpu.memory_space<vmem>> -> memref<128x32xf32, #tpu.memory_space<vmem>>
      %dma_start3A_834 = arith.constant 0 : i32
      %dma_start3A_835 = tpu.memref_slice %arg5[%dma_start3A_827, %dma_start3A_828, %dma_start3A_834] : memref<3x8x128xi32, #tpu.memory_space<vmem>> -> memref<1x1x128xi32, #tpu.memory_space<vmem>>
      %dma_start3A_836 = tpu.memref_squeeze %dma_start3A_835 : memref<1x1x128xi32, #tpu.memory_space<vmem>> -> memref<128xi32, #tpu.memory_space<vmem>>
      %dma_start3A_837 = arith.constant 0 : i32
      %dma_start3A_838 = arith.constant 0 : i32
      %dma_start3A_839 = tpu.memref_slice %arg3[%dma_start3A_837, %dma_start3A_838] : memref<1000000x32xf32, #tpu.memory_space<hbm>> -> memref<1000000x32xf32, #tpu.memory_space<hbm>>
      tpu.enqueue_indirect_dma source(%dma_start3A_839 : memref<1000000x32xf32, #tpu.memory_space<hbm>>) target(%dma_start3A_833 : memref<128x32xf32, #tpu.memory_space<vmem>>) offsets(%dma_start3A_836 : memref<128xi32, #tpu.memory_space<vmem>>) semaphore(%arg7 : memref<!tpu.dma_semaphore, #tpu.memory_space<semaphore_mem>>)
      %dma_start3A_840 = arith.constant 0 : i32
      %dma_start3A_841 = arith.constant 6 : i32
      %dma_start3A_842 = arith.constant 0 : i32
      %dma_start3A_843 = arith.constant 768 : i32
      %dma_start3A_844 = arith.constant 0 : i32
      %dma_start3A_845 = tpu.memref_slice %arg6[%dma_start3A_842, %dma_start3A_843, %dma_start3A_844] : memref<3x1024x32xf32, #tpu.memory_space<vmem>> -> memref<1x128x32xf32, #tpu.memory_space<vmem>>
      %dma_start3A_846 = tpu.memref_squeeze %dma_start3A_845 : memref<1x128x32xf32, #tpu.memory_space<vmem>> -> memref<128x32xf32, #tpu.memory_space<vmem>>
      %dma_start3A_847 = arith.constant 0 : i32
      %dma_start3A_848 = tpu.memref_slice %arg5[%dma_start3A_840, %dma_start3A_841, %dma_start3A_847] : memref<3x8x128xi32, #tpu.memory_space<vmem>> -> memref<1x1x128xi32, #tpu.memory_space<vmem>>
      %dma_start3A_849 = tpu.memref_squeeze %dma_start3A_848 : memref<1x1x128xi32, #tpu.memory_space<vmem>> -> memref<128xi32, #tpu.memory_space<vmem>>
      %dma_start3A_850 = arith.constant 0 : i32
      %dma_start3A_851 = arith.constant 0 : i32
      %dma_start3A_852 = tpu.memref_slice %arg3[%dma_start3A_850, %dma_start3A_851] : memref<1000000x32xf32, #tpu.memory_space<hbm>> -> memref<1000000x32xf32, #tpu.memory_space<hbm>>
      tpu.enqueue_indirect_dma source(%dma_start3A_852 : memref<1000000x32xf32, #tpu.memory_space<hbm>>) target(%dma_start3A_846 : memref<128x32xf32, #tpu.memory_space<vmem>>) offsets(%dma_start3A_849 : memref<128xi32, #tpu.memory_space<vmem>>) semaphore(%arg7 : memref<!tpu.dma_semaphore, #tpu.memory_space<semaphore_mem>>)
      %dma_start3A_853 = arith.constant 0 : i32
      %dma_start3A_854 = arith.constant 7 : i32
      %dma_start3A_855 = arith.constant 0 : i32
      %dma_start3A_856 = arith.constant 896 : i32
      %dma_start3A_857 = arith.constant 0 : i32
      %dma_start3A_858 = tpu.memref_slice %arg6[%dma_start3A_855, %dma_start3A_856, %dma_start3A_857] : memref<3x1024x32xf32, #tpu.memory_space<vmem>> -> memref<1x128x32xf32, #tpu.memory_space<vmem>>
      %dma_start3A_859 = tpu.memref_squeeze %dma_start3A_858 : memref<1x128x32xf32, #tpu.memory_space<vmem>> -> memref<128x32xf32, #tpu.memory_space<vmem>>
      %dma_start3A_860 = arith.constant 0 : i32
      %dma_start3A_861 = tpu.memref_slice %arg5[%dma_start3A_853, %dma_start3A_854, %dma_start3A_860] : memref<3x8x128xi32, #tpu.memory_space<vmem>> -> memref<1x1x128xi32, #tpu.memory_space<vmem>>
      %dma_start3A_862 = tpu.memref_squeeze %dma_start3A_861 : memref<1x1x128xi32, #tpu.memory_space<vmem>> -> memref<128xi32, #tpu.memory_space<vmem>>
      %dma_start3A_863 = arith.constant 0 : i32
      %dma_start3A_864 = arith.constant 0 : i32
      %dma_start3A_865 = tpu.memref_slice %arg3[%dma_start3A_863, %dma_start3A_864] : memref<1000000x32xf32, #tpu.memory_space<hbm>> -> memref<1000000x32xf32, #tpu.memory_space<hbm>>
      tpu.enqueue_indirect_dma source(%dma_start3A_865 : memref<1000000x32xf32, #tpu.memory_space<hbm>>) target(%dma_start3A_859 : memref<128x32xf32, #tpu.memory_space<vmem>>) offsets(%dma_start3A_862 : memref<128xi32, #tpu.memory_space<vmem>>) semaphore(%arg7 : memref<!tpu.dma_semaphore, #tpu.memory_space<semaphore_mem>>)
      %dma_wait3A_866 = arith.constant 2 : i32
      %dma_wait3A_867 = arith.constant 0 : i32
      %dma_wait3A_868 = arith.constant 0 : i32
      %dma_wait3A_869 = tpu.memref_slice %arg6[%dma_wait3A_866, %dma_wait3A_867, %dma_wait3A_868] : memref<3x1024x32xf32, #tpu.memory_space<vmem>> -> memref<1x1024x32xf32, #tpu.memory_space<vmem>>
      %dma_wait3A_870 = tpu.memref_squeeze %dma_wait3A_869 : memref<1x1024x32xf32, #tpu.memory_space<vmem>> -> memref<1024x32xf32, #tpu.memory_space<vmem>>
      %dma_wait3A_871 = arith.constant 0 : i32
      %dma_wait3A_872 = arith.constant 0 : i32
      %dma_wait3A_873 = tpu.memref_slice %arg4[%dma_wait3A_871, %dma_wait3A_872] : memref<3276800x32xf32, #tpu.memory_space<hbm>> -> memref<1024x32xf32, #tpu.memory_space<hbm>>
      %dma_wait3A_874 = arith.constant 0 : i32
      %dma_wait3A_875 = arith.constant 0 : i32
      %dma_wait3A_876 = tpu.memref_slice %arg6[%dma_wait3A_866, %dma_wait3A_874, %dma_wait3A_875] : memref<3x1024x32xf32, #tpu.memory_space<vmem>> -> memref<1x1024x32xf32, #tpu.memory_space<vmem>>
      %dma_wait3A_877 = tpu.memref_squeeze %dma_wait3A_876 : memref<1x1024x32xf32, #tpu.memory_space<vmem>> -> memref<1024x32xf32, #tpu.memory_space<vmem>>
      %dma_wait3A_878 = arith.constant 0 : i32
      %dma_wait3A_879 = arith.constant 0 : i32
      %dma_wait3A_880 = tpu.memref_slice %arg4[%dma_wait3A_878, %dma_wait3A_879] : memref<3276800x32xf32, #tpu.memory_space<hbm>> -> memref<1024x32xf32, #tpu.memory_space<hbm>>
      tpu.wait_dma2 semaphore(%arg9 : memref<!tpu.dma_semaphore, #tpu.memory_space<semaphore_mem>>) src(%dma_wait3A_880 : memref<1024x32xf32, #tpu.memory_space<hbm>>) dst(%dma_wait3A_877 : memref<1024x32xf32, #tpu.memory_space<vmem>>)
      %sub3A_881 = arith.constant 1 : i32
      %sub3A_882 = arith.subi %add3A_716, %sub3A_881 : i32
      %mul3A_883 = arith.constant 1024 : i32
      %mul3A_884 = arith.muli %sub3A_882, %mul3A_883 : i32
      %add3A_885 = arith.addi %mul3A_2, %mul3A_884 : i32
      %multiple_of3A_886 = tpu.assume_multiple %add3A_885, 1024 : i32
      %dma_start3A_887 = arith.constant 2 : i32
      %dma_start3A_888 = arith.constant 0 : i32
      %dma_start3A_889 = arith.constant 0 : i32
      %dma_start3A_890 = tpu.memref_slice %arg6[%dma_start3A_887, %dma_start3A_888, %dma_start3A_889] : memref<3x1024x32xf32, #tpu.memory_space<vmem>> -> memref<1x1024x32xf32, #tpu.memory_space<vmem>>
      %dma_start3A_891 = tpu.memref_squeeze %dma_start3A_890 : memref<1x1024x32xf32, #tpu.memory_space<vmem>> -> memref<1024x32xf32, #tpu.memory_space<vmem>>
      %dma_start3A_892 = arith.constant 0 : i32
      %dma_start3A_893 = tpu.memref_slice %arg4[%multiple_of3A_886, %dma_start3A_892] : memref<3276800x32xf32, #tpu.memory_space<hbm>> -> memref<1024x32xf32, #tpu.memory_space<hbm>>
      %dma_start3A_894 = arith.constant 0 : i32
      %dma_start3A_895 = tpu.memref_slice %arg4[%multiple_of3A_886, %dma_start3A_894] : memref<3276800x32xf32, #tpu.memory_space<hbm>> -> memref<1024x32xf32, #tpu.memory_space<hbm>>
      %dma_start3A_896 = arith.constant 0 : i32
      %dma_start3A_897 = arith.constant 0 : i32
      %dma_start3A_898 = tpu.memref_slice %arg6[%dma_start3A_887, %dma_start3A_896, %dma_start3A_897] : memref<3x1024x32xf32, #tpu.memory_space<vmem>> -> memref<1x1024x32xf32, #tpu.memory_space<vmem>>
      %dma_start3A_899 = tpu.memref_squeeze %dma_start3A_898 : memref<1x1024x32xf32, #tpu.memory_space<vmem>> -> memref<1024x32xf32, #tpu.memory_space<vmem>>
      tpu.enqueue_dma source(%dma_start3A_899 : memref<1024x32xf32, #tpu.memory_space<vmem>>) target(%dma_start3A_895 : memref<1024x32xf32, #tpu.memory_space<hbm>>) target_semaphore(%arg12 : memref<!tpu.dma_semaphore, #tpu.memory_space<semaphore_mem>>)
      %mul3A_900 = arith.constant 3 : i32
      %mul3A_901 = arith.muli %scan3A_712, %mul3A_900 : i32
      %add3A_902 = arith.constant 1 : i32
      %add3A_903 = arith.addi %mul3A_901, %add3A_902 : i32
      %dma_wait3A_904 = arith.constant 1 : i32
      %dma_wait3A_905 = arith.constant 0 : i32
      %dma_wait3A_906 = arith.constant 0 : i32
      %dma_wait3A_907 = tpu.memref_slice %arg6[%dma_wait3A_904, %dma_wait3A_905, %dma_wait3A_906] : memref<3x1024x32xf32, #tpu.memory_space<vmem>> -> memref<1x1024x32xf32, #tpu.memory_space<vmem>>
      %dma_wait3A_908 = tpu.memref_squeeze %dma_wait3A_907 : memref<1x1024x32xf32, #tpu.memory_space<vmem>> -> memref<1024x32xf32, #tpu.memory_space<vmem>>
      %dma_wait3A_909 = arith.constant 0 : i32
      %dma_wait3A_910 = arith.constant 0 : i32
      %dma_wait3A_911 = tpu.memref_slice %arg4[%dma_wait3A_909, %dma_wait3A_910] : memref<3276800x32xf32, #tpu.memory_space<hbm>> -> memref<1024x32xf32, #tpu.memory_space<hbm>>
      %dma_wait3A_912 = arith.constant 0 : i32
      %dma_wait3A_913 = arith.constant 0 : i32
      %dma_wait3A_914 = tpu.memref_slice %arg6[%dma_wait3A_904, %dma_wait3A_912, %dma_wait3A_913] : memref<3x1024x32xf32, #tpu.memory_space<vmem>> -> memref<1x1024x32xf32, #tpu.memory_space<vmem>>
      %dma_wait3A_915 = tpu.memref_squeeze %dma_wait3A_914 : memref<1x1024x32xf32, #tpu.memory_space<vmem>> -> memref<1024x32xf32, #tpu.memory_space<vmem>>
      %dma_wait3A_916 = arith.constant 0 : i32
      %dma_wait3A_917 = arith.constant 0 : i32
      %dma_wait3A_918 = tpu.memref_slice %arg4[%dma_wait3A_916, %dma_wait3A_917] : memref<3276800x32xf32, #tpu.memory_space<hbm>> -> memref<1024x32xf32, #tpu.memory_space<hbm>>
      tpu.wait_dma2 semaphore(%arg11 : memref<!tpu.dma_semaphore, #tpu.memory_space<semaphore_mem>>) src(%dma_wait3A_918 : memref<1024x32xf32, #tpu.memory_space<hbm>>) dst(%dma_wait3A_915 : memref<1024x32xf32, #tpu.memory_space<vmem>>)
      %mul3A_919 = arith.constant 1024 : i32
      %mul3A_920 = arith.muli %add3A_903, %mul3A_919 : i32
      %add3A_921 = arith.addi %mul3A_2, %mul3A_920 : i32
      %multiple_of3A_922 = tpu.assume_multiple %add3A_921, 1024 : i32
      %jit3A_923 = arith.constant 128 : i32
      %div3A_924 = arith.divsi %multiple_of3A_922, %jit3A_923 : i32
      %sign3A_925 = arith.constant 0 : i32
      %sign3A_926 = arith.cmpi sgt, %multiple_of3A_922, %sign3A_925 : i32
      %sign3A_927 = arith.extui %sign3A_926 : i1 to i32
      %sign3A_928 = arith.constant 0 : i32
      %sign3A_929 = arith.cmpi slt, %multiple_of3A_922, %sign3A_928 : i32
      %sign3A_930 = arith.extui %sign3A_929 : i1 to i32
      %sign3A_931 = arith.subi %sign3A_927, %sign3A_930 : i32
      %sign3A_932 = arith.constant 0 : i32
      %sign3A_933 = arith.cmpi sgt, %jit3A_923, %sign3A_932 : i32
      %sign3A_934 = arith.extui %sign3A_933 : i1 to i32
      %sign3A_935 = arith.constant 0 : i32
      %sign3A_936 = arith.cmpi slt, %jit3A_923, %sign3A_935 : i32
      %sign3A_937 = arith.extui %sign3A_936 : i1 to i32
      %sign3A_938 = arith.subi %sign3A_934, %sign3A_937 : i32
      %ne3A_939 = arith.cmpi ne, %sign3A_931, %sign3A_938 : i32
      %rem3A_940 = arith.remsi %multiple_of3A_922, %jit3A_923 : i32
      %ne3A_941 = arith.constant 0 : i32
      %ne3A_942 = arith.cmpi ne, %rem3A_940, %ne3A_941 : i32
      %and3A_943 = arith.andi %ne3A_939, %ne3A_942 : i1
      %sub3A_944 = arith.constant 1 : i32
      %sub3A_945 = arith.subi %div3A_924, %sub3A_944 : i32
      %select_n3A_946 = arith.select %and3A_943, %sub3A_945, %div3A_924 : i32
      %multiple_of3A_947 = tpu.assume_multiple %select_n3A_946, 8 : i32
      %run_scoped3A_948 = arith.constant 1 : i32
      "tpu.region"() ({
        %run_scoped3A_1274 = tpu.sem_alloc : memref<!tpu.dma_semaphore, #tpu.memory_space<semaphore_mem>>
        %dma_start3A_1275 = arith.constant 0 : i32
        %dma_start3A_1276 = arith.constant 0 : i32
        %dma_start3A_1277 = tpu.memref_slice %arg5[%run_scoped3A_948, %dma_start3A_1275, %dma_start3A_1276] : memref<3x8x128xi32, #tpu.memory_space<vmem>> -> memref<1x8x128xi32, #tpu.memory_space<vmem>>
        %dma_start3A_1278 = tpu.memref_squeeze %dma_start3A_1277 : memref<1x8x128xi32, #tpu.memory_space<vmem>> -> memref<8x128xi32, #tpu.memory_space<vmem>>
        %dma_start3A_1279 = arith.constant 0 : i32
        %dma_start3A_1280 = tpu.memref_slice %arg2[%multiple_of3A_947, %dma_start3A_1279] : memref<25600x128xi32, #tpu.memory_space<hbm>> -> memref<8x128xi32, #tpu.memory_space<hbm>>
        %dma_start3A_1281 = arith.constant 0 : i32
        %dma_start3A_1282 = arith.constant 0 : i32
        %dma_start3A_1283 = tpu.memref_slice %arg5[%run_scoped3A_948, %dma_start3A_1281, %dma_start3A_1282] : memref<3x8x128xi32, #tpu.memory_space<vmem>> -> memref<1x8x128xi32, #tpu.memory_space<vmem>>
        %dma_start3A_1284 = tpu.memref_squeeze %dma_start3A_1283 : memref<1x8x128xi32, #tpu.memory_space<vmem>> -> memref<8x128xi32, #tpu.memory_space<vmem>>
        %dma_start3A_1285 = arith.constant 0 : i32
        %dma_start3A_1286 = tpu.memref_slice %arg2[%multiple_of3A_947, %dma_start3A_1285] : memref<25600x128xi32, #tpu.memory_space<hbm>> -> memref<8x128xi32, #tpu.memory_space<hbm>>
        tpu.enqueue_dma source(%dma_start3A_1286 : memref<8x128xi32, #tpu.memory_space<hbm>>) target(%dma_start3A_1284 : memref<8x128xi32, #tpu.memory_space<vmem>>) target_semaphore(%run_scoped3A_1274 : memref<!tpu.dma_semaphore, #tpu.memory_space<semaphore_mem>>)
        %dma_wait3A_1287 = arith.constant 0 : i32
        %dma_wait3A_1288 = arith.constant 0 : i32
        %dma_wait3A_1289 = tpu.memref_slice %arg5[%run_scoped3A_948, %dma_wait3A_1287, %dma_wait3A_1288] : memref<3x8x128xi32, #tpu.memory_space<vmem>> -> memref<1x8x128xi32, #tpu.memory_space<vmem>>
        %dma_wait3A_1290 = tpu.memref_squeeze %dma_wait3A_1289 : memref<1x8x128xi32, #tpu.memory_space<vmem>> -> memref<8x128xi32, #tpu.memory_space<vmem>>
        %dma_wait3A_1291 = arith.constant 0 : i32
        %dma_wait3A_1292 = tpu.memref_slice %arg2[%multiple_of3A_947, %dma_wait3A_1291] : memref<25600x128xi32, #tpu.memory_space<hbm>> -> memref<8x128xi32, #tpu.memory_space<hbm>>
        %dma_wait3A_1293 = arith.constant 0 : i32
        %dma_wait3A_1294 = arith.constant 0 : i32
        %dma_wait3A_1295 = tpu.memref_slice %arg5[%run_scoped3A_948, %dma_wait3A_1293, %dma_wait3A_1294] : memref<3x8x128xi32, #tpu.memory_space<vmem>> -> memref<1x8x128xi32, #tpu.memory_space<vmem>>
        %dma_wait3A_1296 = tpu.memref_squeeze %dma_wait3A_1295 : memref<1x8x128xi32, #tpu.memory_space<vmem>> -> memref<8x128xi32, #tpu.memory_space<vmem>>
        %dma_wait3A_1297 = arith.constant 0 : i32
        %dma_wait3A_1298 = tpu.memref_slice %arg2[%multiple_of3A_947, %dma_wait3A_1297] : memref<25600x128xi32, #tpu.memory_space<hbm>> -> memref<8x128xi32, #tpu.memory_space<hbm>>
        tpu.wait_dma2 semaphore(%run_scoped3A_1274 : memref<!tpu.dma_semaphore, #tpu.memory_space<semaphore_mem>>) src(%dma_wait3A_1298 : memref<8x128xi32, #tpu.memory_space<hbm>>) dst(%dma_wait3A_1296 : memref<8x128xi32, #tpu.memory_space<vmem>>)
        tpu.yield
      }) : () -> ()
      %dma_start3A_949 = arith.constant 1 : i32
      %dma_start3A_950 = arith.constant 0 : i32
      %dma_start3A_951 = arith.constant 1 : i32
      %dma_start3A_952 = arith.constant 0 : i32
      %dma_start3A_953 = arith.constant 0 : i32
      %dma_start3A_954 = tpu.memref_slice %arg6[%dma_start3A_951, %dma_start3A_952, %dma_start3A_953] : memref<3x1024x32xf32, #tpu.memory_space<vmem>> -> memref<1x128x32xf32, #tpu.memory_space<vmem>>
      %dma_start3A_955 = tpu.memref_squeeze %dma_start3A_954 : memref<1x128x32xf32, #tpu.memory_space<vmem>> -> memref<128x32xf32, #tpu.memory_space<vmem>>
      %dma_start3A_956 = arith.constant 0 : i32
      %dma_start3A_957 = tpu.memref_slice %arg5[%dma_start3A_949, %dma_start3A_950, %dma_start3A_956] : memref<3x8x128xi32, #tpu.memory_space<vmem>> -> memref<1x1x128xi32, #tpu.memory_space<vmem>>
      %dma_start3A_958 = tpu.memref_squeeze %dma_start3A_957 : memref<1x1x128xi32, #tpu.memory_space<vmem>> -> memref<128xi32, #tpu.memory_space<vmem>>
      %dma_start3A_959 = arith.constant 0 : i32
      %dma_start3A_960 = arith.constant 0 : i32
      %dma_start3A_961 = tpu.memref_slice %arg3[%dma_start3A_959, %dma_start3A_960] : memref<1000000x32xf32, #tpu.memory_space<hbm>> -> memref<1000000x32xf32, #tpu.memory_space<hbm>>
      tpu.enqueue_indirect_dma source(%dma_start3A_961 : memref<1000000x32xf32, #tpu.memory_space<hbm>>) target(%dma_start3A_955 : memref<128x32xf32, #tpu.memory_space<vmem>>) offsets(%dma_start3A_958 : memref<128xi32, #tpu.memory_space<vmem>>) semaphore(%arg8 : memref<!tpu.dma_semaphore, #tpu.memory_space<semaphore_mem>>)
      %dma_start3A_962 = arith.constant 1 : i32
      %dma_start3A_963 = arith.constant 1 : i32
      %dma_start3A_964 = arith.constant 1 : i32
      %dma_start3A_965 = arith.constant 128 : i32
      %dma_start3A_966 = arith.constant 0 : i32
      %dma_start3A_967 = tpu.memref_slice %arg6[%dma_start3A_964, %dma_start3A_965, %dma_start3A_966] : memref<3x1024x32xf32, #tpu.memory_space<vmem>> -> memref<1x128x32xf32, #tpu.memory_space<vmem>>
      %dma_start3A_968 = tpu.memref_squeeze %dma_start3A_967 : memref<1x128x32xf32, #tpu.memory_space<vmem>> -> memref<128x32xf32, #tpu.memory_space<vmem>>
      %dma_start3A_969 = arith.constant 0 : i32
      %dma_start3A_970 = tpu.memref_slice %arg5[%dma_start3A_962, %dma_start3A_963, %dma_start3A_969] : memref<3x8x128xi32, #tpu.memory_space<vmem>> -> memref<1x1x128xi32, #tpu.memory_space<vmem>>
      %dma_start3A_971 = tpu.memref_squeeze %dma_start3A_970 : memref<1x1x128xi32, #tpu.memory_space<vmem>> -> memref<128xi32, #tpu.memory_space<vmem>>
      %dma_start3A_972 = arith.constant 0 : i32
      %dma_start3A_973 = arith.constant 0 : i32
      %dma_start3A_974 = tpu.memref_slice %arg3[%dma_start3A_972, %dma_start3A_973] : memref<1000000x32xf32, #tpu.memory_space<hbm>> -> memref<1000000x32xf32, #tpu.memory_space<hbm>>
      tpu.enqueue_indirect_dma source(%dma_start3A_974 : memref<1000000x32xf32, #tpu.memory_space<hbm>>) target(%dma_start3A_968 : memref<128x32xf32, #tpu.memory_space<vmem>>) offsets(%dma_start3A_971 : memref<128xi32, #tpu.memory_space<vmem>>) semaphore(%arg8 : memref<!tpu.dma_semaphore, #tpu.memory_space<semaphore_mem>>)
      %dma_start3A_975 = arith.constant 1 : i32
      %dma_start3A_976 = arith.constant 2 : i32
      %dma_start3A_977 = arith.constant 1 : i32
      %dma_start3A_978 = arith.constant 256 : i32
      %dma_start3A_979 = arith.constant 0 : i32
      %dma_start3A_980 = tpu.memref_slice %arg6[%dma_start3A_977, %dma_start3A_978, %dma_start3A_979] : memref<3x1024x32xf32, #tpu.memory_space<vmem>> -> memref<1x128x32xf32, #tpu.memory_space<vmem>>
      %dma_start3A_981 = tpu.memref_squeeze %dma_start3A_980 : memref<1x128x32xf32, #tpu.memory_space<vmem>> -> memref<128x32xf32, #tpu.memory_space<vmem>>
      %dma_start3A_982 = arith.constant 0 : i32
      %dma_start3A_983 = tpu.memref_slice %arg5[%dma_start3A_975, %dma_start3A_976, %dma_start3A_982] : memref<3x8x128xi32, #tpu.memory_space<vmem>> -> memref<1x1x128xi32, #tpu.memory_space<vmem>>
      %dma_start3A_984 = tpu.memref_squeeze %dma_start3A_983 : memref<1x1x128xi32, #tpu.memory_space<vmem>> -> memref<128xi32, #tpu.memory_space<vmem>>
      %dma_start3A_985 = arith.constant 0 : i32
      %dma_start3A_986 = arith.constant 0 : i32
      %dma_start3A_987 = tpu.memref_slice %arg3[%dma_start3A_985, %dma_start3A_986] : memref<1000000x32xf32, #tpu.memory_space<hbm>> -> memref<1000000x32xf32, #tpu.memory_space<hbm>>
      tpu.enqueue_indirect_dma source(%dma_start3A_987 : memref<1000000x32xf32, #tpu.memory_space<hbm>>) target(%dma_start3A_981 : memref<128x32xf32, #tpu.memory_space<vmem>>) offsets(%dma_start3A_984 : memref<128xi32, #tpu.memory_space<vmem>>) semaphore(%arg8 : memref<!tpu.dma_semaphore, #tpu.memory_space<semaphore_mem>>)
      %dma_start3A_988 = arith.constant 1 : i32
      %dma_start3A_989 = arith.constant 3 : i32
      %dma_start3A_990 = arith.constant 1 : i32
      %dma_start3A_991 = arith.constant 384 : i32
      %dma_start3A_992 = arith.constant 0 : i32
      %dma_start3A_993 = tpu.memref_slice %arg6[%dma_start3A_990, %dma_start3A_991, %dma_start3A_992] : memref<3x1024x32xf32, #tpu.memory_space<vmem>> -> memref<1x128x32xf32, #tpu.memory_space<vmem>>
      %dma_start3A_994 = tpu.memref_squeeze %dma_start3A_993 : memref<1x128x32xf32, #tpu.memory_space<vmem>> -> memref<128x32xf32, #tpu.memory_space<vmem>>
      %dma_start3A_995 = arith.constant 0 : i32
      %dma_start3A_996 = tpu.memref_slice %arg5[%dma_start3A_988, %dma_start3A_989, %dma_start3A_995] : memref<3x8x128xi32, #tpu.memory_space<vmem>> -> memref<1x1x128xi32, #tpu.memory_space<vmem>>
      %dma_start3A_997 = tpu.memref_squeeze %dma_start3A_996 : memref<1x1x128xi32, #tpu.memory_space<vmem>> -> memref<128xi32, #tpu.memory_space<vmem>>
      %dma_start3A_998 = arith.constant 0 : i32
      %dma_start3A_999 = arith.constant 0 : i32
      %dma_start3A_1000 = tpu.memref_slice %arg3[%dma_start3A_998, %dma_start3A_999] : memref<1000000x32xf32, #tpu.memory_space<hbm>> -> memref<1000000x32xf32, #tpu.memory_space<hbm>>
      tpu.enqueue_indirect_dma source(%dma_start3A_1000 : memref<1000000x32xf32, #tpu.memory_space<hbm>>) target(%dma_start3A_994 : memref<128x32xf32, #tpu.memory_space<vmem>>) offsets(%dma_start3A_997 : memref<128xi32, #tpu.memory_space<vmem>>) semaphore(%arg8 : memref<!tpu.dma_semaphore, #tpu.memory_space<semaphore_mem>>)
      %dma_start3A_1001 = arith.constant 1 : i32
      %dma_start3A_1002 = arith.constant 4 : i32
      %dma_start3A_1003 = arith.constant 1 : i32
      %dma_start3A_1004 = arith.constant 512 : i32
      %dma_start3A_1005 = arith.constant 0 : i32
      %dma_start3A_1006 = tpu.memref_slice %arg6[%dma_start3A_1003, %dma_start3A_1004, %dma_start3A_1005] : memref<3x1024x32xf32, #tpu.memory_space<vmem>> -> memref<1x128x32xf32, #tpu.memory_space<vmem>>
      %dma_start3A_1007 = tpu.memref_squeeze %dma_start3A_1006 : memref<1x128x32xf32, #tpu.memory_space<vmem>> -> memref<128x32xf32, #tpu.memory_space<vmem>>
      %dma_start3A_1008 = arith.constant 0 : i32
      %dma_start3A_1009 = tpu.memref_slice %arg5[%dma_start3A_1001, %dma_start3A_1002, %dma_start3A_1008] : memref<3x8x128xi32, #tpu.memory_space<vmem>> -> memref<1x1x128xi32, #tpu.memory_space<vmem>>
      %dma_start3A_1010 = tpu.memref_squeeze %dma_start3A_1009 : memref<1x1x128xi32, #tpu.memory_space<vmem>> -> memref<128xi32, #tpu.memory_space<vmem>>
      %dma_start3A_1011 = arith.constant 0 : i32
      %dma_start3A_1012 = arith.constant 0 : i32
      %dma_start3A_1013 = tpu.memref_slice %arg3[%dma_start3A_1011, %dma_start3A_1012] : memref<1000000x32xf32, #tpu.memory_space<hbm>> -> memref<1000000x32xf32, #tpu.memory_space<hbm>>
      tpu.enqueue_indirect_dma source(%dma_start3A_1013 : memref<1000000x32xf32, #tpu.memory_space<hbm>>) target(%dma_start3A_1007 : memref<128x32xf32, #tpu.memory_space<vmem>>) offsets(%dma_start3A_1010 : memref<128xi32, #tpu.memory_space<vmem>>) semaphore(%arg8 : memref<!tpu.dma_semaphore, #tpu.memory_space<semaphore_mem>>)
      %dma_start3A_1014 = arith.constant 1 : i32
      %dma_start3A_1015 = arith.constant 5 : i32
      %dma_start3A_1016 = arith.constant 1 : i32
      %dma_start3A_1017 = arith.constant 640 : i32
      %dma_start3A_1018 = arith.constant 0 : i32
      %dma_start3A_1019 = tpu.memref_slice %arg6[%dma_start3A_1016, %dma_start3A_1017, %dma_start3A_1018] : memref<3x1024x32xf32, #tpu.memory_space<vmem>> -> memref<1x128x32xf32, #tpu.memory_space<vmem>>
      %dma_start3A_1020 = tpu.memref_squeeze %dma_start3A_1019 : memref<1x128x32xf32, #tpu.memory_space<vmem>> -> memref<128x32xf32, #tpu.memory_space<vmem>>
      %dma_start3A_1021 = arith.constant 0 : i32
      %dma_start3A_1022 = tpu.memref_slice %arg5[%dma_start3A_1014, %dma_start3A_1015, %dma_start3A_1021] : memref<3x8x128xi32, #tpu.memory_space<vmem>> -> memref<1x1x128xi32, #tpu.memory_space<vmem>>
      %dma_start3A_1023 = tpu.memref_squeeze %dma_start3A_1022 : memref<1x1x128xi32, #tpu.memory_space<vmem>> -> memref<128xi32, #tpu.memory_space<vmem>>
      %dma_start3A_1024 = arith.constant 0 : i32
      %dma_start3A_1025 = arith.constant 0 : i32
      %dma_start3A_1026 = tpu.memref_slice %arg3[%dma_start3A_1024, %dma_start3A_1025] : memref<1000000x32xf32, #tpu.memory_space<hbm>> -> memref<1000000x32xf32, #tpu.memory_space<hbm>>
      tpu.enqueue_indirect_dma source(%dma_start3A_1026 : memref<1000000x32xf32, #tpu.memory_space<hbm>>) target(%dma_start3A_1020 : memref<128x32xf32, #tpu.memory_space<vmem>>) offsets(%dma_start3A_1023 : memref<128xi32, #tpu.memory_space<vmem>>) semaphore(%arg8 : memref<!tpu.dma_semaphore, #tpu.memory_space<semaphore_mem>>)
      %dma_start3A_1027 = arith.constant 1 : i32
      %dma_start3A_1028 = arith.constant 6 : i32
      %dma_start3A_1029 = arith.constant 1 : i32
      %dma_start3A_1030 = arith.constant 768 : i32
      %dma_start3A_1031 = arith.constant 0 : i32
      %dma_start3A_1032 = tpu.memref_slice %arg6[%dma_start3A_1029, %dma_start3A_1030, %dma_start3A_1031] : memref<3x1024x32xf32, #tpu.memory_space<vmem>> -> memref<1x128x32xf32, #tpu.memory_space<vmem>>
      %dma_start3A_1033 = tpu.memref_squeeze %dma_start3A_1032 : memref<1x128x32xf32, #tpu.memory_space<vmem>> -> memref<128x32xf32, #tpu.memory_space<vmem>>
      %dma_start3A_1034 = arith.constant 0 : i32
      %dma_start3A_1035 = tpu.memref_slice %arg5[%dma_start3A_1027, %dma_start3A_1028, %dma_start3A_1034] : memref<3x8x128xi32, #tpu.memory_space<vmem>> -> memref<1x1x128xi32, #tpu.memory_space<vmem>>
      %dma_start3A_1036 = tpu.memref_squeeze %dma_start3A_1035 : memref<1x1x128xi32, #tpu.memory_space<vmem>> -> memref<128xi32, #tpu.memory_space<vmem>>
      %dma_start3A_1037 = arith.constant 0 : i32
      %dma_start3A_1038 = arith.constant 0 : i32
      %dma_start3A_1039 = tpu.memref_slice %arg3[%dma_start3A_1037, %dma_start3A_1038] : memref<1000000x32xf32, #tpu.memory_space<hbm>> -> memref<1000000x32xf32, #tpu.memory_space<hbm>>
      tpu.enqueue_indirect_dma source(%dma_start3A_1039 : memref<1000000x32xf32, #tpu.memory_space<hbm>>) target(%dma_start3A_1033 : memref<128x32xf32, #tpu.memory_space<vmem>>) offsets(%dma_start3A_1036 : memref<128xi32, #tpu.memory_space<vmem>>) semaphore(%arg8 : memref<!tpu.dma_semaphore, #tpu.memory_space<semaphore_mem>>)
      %dma_start3A_1040 = arith.constant 1 : i32
      %dma_start3A_1041 = arith.constant 7 : i32
      %dma_start3A_1042 = arith.constant 1 : i32
      %dma_start3A_1043 = arith.constant 896 : i32
      %dma_start3A_1044 = arith.constant 0 : i32
      %dma_start3A_1045 = tpu.memref_slice %arg6[%dma_start3A_1042, %dma_start3A_1043, %dma_start3A_1044] : memref<3x1024x32xf32, #tpu.memory_space<vmem>> -> memref<1x128x32xf32, #tpu.memory_space<vmem>>
      %dma_start3A_1046 = tpu.memref_squeeze %dma_start3A_1045 : memref<1x128x32xf32, #tpu.memory_space<vmem>> -> memref<128x32xf32, #tpu.memory_space<vmem>>
      %dma_start3A_1047 = arith.constant 0 : i32
      %dma_start3A_1048 = tpu.memref_slice %arg5[%dma_start3A_1040, %dma_start3A_1041, %dma_start3A_1047] : memref<3x8x128xi32, #tpu.memory_space<vmem>> -> memref<1x1x128xi32, #tpu.memory_space<vmem>>
      %dma_start3A_1049 = tpu.memref_squeeze %dma_start3A_1048 : memref<1x1x128xi32, #tpu.memory_space<vmem>> -> memref<128xi32, #tpu.memory_space<vmem>>
      %dma_start3A_1050 = arith.constant 0 : i32
      %dma_start3A_1051 = arith.constant 0 : i32
      %dma_start3A_1052 = tpu.memref_slice %arg3[%dma_start3A_1050, %dma_start3A_1051] : memref<1000000x32xf32, #tpu.memory_space<hbm>> -> memref<1000000x32xf32, #tpu.memory_space<hbm>>
      tpu.enqueue_indirect_dma source(%dma_start3A_1052 : memref<1000000x32xf32, #tpu.memory_space<hbm>>) target(%dma_start3A_1046 : memref<128x32xf32, #tpu.memory_space<vmem>>) offsets(%dma_start3A_1049 : memref<128xi32, #tpu.memory_space<vmem>>) semaphore(%arg8 : memref<!tpu.dma_semaphore, #tpu.memory_space<semaphore_mem>>)
      %dma_wait3A_1053 = arith.constant 0 : i32
      %dma_wait3A_1054 = arith.constant 0 : i32
      %dma_wait3A_1055 = arith.constant 0 : i32
      %dma_wait3A_1056 = tpu.memref_slice %arg6[%dma_wait3A_1053, %dma_wait3A_1054, %dma_wait3A_1055] : memref<3x1024x32xf32, #tpu.memory_space<vmem>> -> memref<1x1024x32xf32, #tpu.memory_space<vmem>>
      %dma_wait3A_1057 = tpu.memref_squeeze %dma_wait3A_1056 : memref<1x1024x32xf32, #tpu.memory_space<vmem>> -> memref<1024x32xf32, #tpu.memory_space<vmem>>
      %dma_wait3A_1058 = arith.constant 0 : i32
      %dma_wait3A_1059 = arith.constant 0 : i32
      %dma_wait3A_1060 = tpu.memref_slice %arg4[%dma_wait3A_1058, %dma_wait3A_1059] : memref<3276800x32xf32, #tpu.memory_space<hbm>> -> memref<1024x32xf32, #tpu.memory_space<hbm>>
      %dma_wait3A_1061 = arith.constant 0 : i32
      %dma_wait3A_1062 = arith.constant 0 : i32
      %dma_wait3A_1063 = tpu.memref_slice %arg6[%dma_wait3A_1053, %dma_wait3A_1061, %dma_wait3A_1062] : memref<3x1024x32xf32, #tpu.memory_space<vmem>> -> memref<1x1024x32xf32, #tpu.memory_space<vmem>>
      %dma_wait3A_1064 = tpu.memref_squeeze %dma_wait3A_1063 : memref<1x1024x32xf32, #tpu.memory_space<vmem>> -> memref<1024x32xf32, #tpu.memory_space<vmem>>
      %dma_wait3A_1065 = arith.constant 0 : i32
      %dma_wait3A_1066 = arith.constant 0 : i32
      %dma_wait3A_1067 = tpu.memref_slice %arg4[%dma_wait3A_1065, %dma_wait3A_1066] : memref<3276800x32xf32, #tpu.memory_space<hbm>> -> memref<1024x32xf32, #tpu.memory_space<hbm>>
      tpu.wait_dma2 semaphore(%arg7 : memref<!tpu.dma_semaphore, #tpu.memory_space<semaphore_mem>>) src(%dma_wait3A_1067 : memref<1024x32xf32, #tpu.memory_space<hbm>>) dst(%dma_wait3A_1064 : memref<1024x32xf32, #tpu.memory_space<vmem>>)
      %sub3A_1068 = arith.constant 1 : i32
      %sub3A_1069 = arith.subi %add3A_903, %sub3A_1068 : i32
      %mul3A_1070 = arith.constant 1024 : i32
      %mul3A_1071 = arith.muli %sub3A_1069, %mul3A_1070 : i32
      %add3A_1072 = arith.addi %mul3A_2, %mul3A_1071 : i32
      %multiple_of3A_1073 = tpu.assume_multiple %add3A_1072, 1024 : i32
      %dma_start3A_1074 = arith.constant 0 : i32
      %dma_start3A_1075 = arith.constant 0 : i32
      %dma_start3A_1076 = arith.constant 0 : i32
      %dma_start3A_1077 = tpu.memref_slice %arg6[%dma_start3A_1074, %dma_start3A_1075, %dma_start3A_1076] : memref<3x1024x32xf32, #tpu.memory_space<vmem>> -> memref<1x1024x32xf32, #tpu.memory_space<vmem>>
      %dma_start3A_1078 = tpu.memref_squeeze %dma_start3A_1077 : memref<1x1024x32xf32, #tpu.memory_space<vmem>> -> memref<1024x32xf32, #tpu.memory_space<vmem>>
      %dma_start3A_1079 = arith.constant 0 : i32
      %dma_start3A_1080 = tpu.memref_slice %arg4[%multiple_of3A_1073, %dma_start3A_1079] : memref<3276800x32xf32, #tpu.memory_space<hbm>> -> memref<1024x32xf32, #tpu.memory_space<hbm>>
      %dma_start3A_1081 = arith.constant 0 : i32
      %dma_start3A_1082 = tpu.memref_slice %arg4[%multiple_of3A_1073, %dma_start3A_1081] : memref<3276800x32xf32, #tpu.memory_space<hbm>> -> memref<1024x32xf32, #tpu.memory_space<hbm>>
      %dma_start3A_1083 = arith.constant 0 : i32
      %dma_start3A_1084 = arith.constant 0 : i32
      %dma_start3A_1085 = tpu.memref_slice %arg6[%dma_start3A_1074, %dma_start3A_1083, %dma_start3A_1084] : memref<3x1024x32xf32, #tpu.memory_space<vmem>> -> memref<1x1024x32xf32, #tpu.memory_space<vmem>>
      %dma_start3A_1086 = tpu.memref_squeeze %dma_start3A_1085 : memref<1x1024x32xf32, #tpu.memory_space<vmem>> -> memref<1024x32xf32, #tpu.memory_space<vmem>>
      tpu.enqueue_dma source(%dma_start3A_1086 : memref<1024x32xf32, #tpu.memory_space<vmem>>) target(%dma_start3A_1082 : memref<1024x32xf32, #tpu.memory_space<hbm>>) target_semaphore(%arg10 : memref<!tpu.dma_semaphore, #tpu.memory_space<semaphore_mem>>)
      %mul3A_1087 = arith.constant 3 : i32
      %mul3A_1088 = arith.muli %scan3A_712, %mul3A_1087 : i32
      %add3A_1089 = arith.constant 2 : i32
      %add3A_1090 = arith.addi %mul3A_1088, %add3A_1089 : i32
      %dma_wait3A_1091 = arith.constant 2 : i32
      %dma_wait3A_1092 = arith.constant 0 : i32
      %dma_wait3A_1093 = arith.constant 0 : i32
      %dma_wait3A_1094 = tpu.memref_slice %arg6[%dma_wait3A_1091, %dma_wait3A_1092, %dma_wait3A_1093] : memref<3x1024x32xf32, #tpu.memory_space<vmem>> -> memref<1x1024x32xf32, #tpu.memory_space<vmem>>
      %dma_wait3A_1095 = tpu.memref_squeeze %dma_wait3A_1094 : memref<1x1024x32xf32, #tpu.memory_space<vmem>> -> memref<1024x32xf32, #tpu.memory_space<vmem>>
      %dma_wait3A_1096 = arith.constant 0 : i32
      %dma_wait3A_1097 = arith.constant 0 : i32
      %dma_wait3A_1098 = tpu.memref_slice %arg4[%dma_wait3A_1096, %dma_wait3A_1097] : memref<3276800x32xf32, #tpu.memory_space<hbm>> -> memref<1024x32xf32, #tpu.memory_space<hbm>>
      %dma_wait3A_1099 = arith.constant 0 : i32
      %dma_wait3A_1100 = arith.constant 0 : i32
      %dma_wait3A_1101 = tpu.memref_slice %arg6[%dma_wait3A_1091, %dma_wait3A_1099, %dma_wait3A_1100] : memref<3x1024x32xf32, #tpu.memory_space<vmem>> -> memref<1x1024x32xf32, #tpu.memory_space<vmem>>
      %dma_wait3A_1102 = tpu.memref_squeeze %dma_wait3A_1101 : memref<1x1024x32xf32, #tpu.memory_space<vmem>> -> memref<1024x32xf32, #tpu.memory_space<vmem>>
      %dma_wait3A_1103 = arith.constant 0 : i32
      %dma_wait3A_1104 = arith.constant 0 : i32
      %dma_wait3A_1105 = tpu.memref_slice %arg4[%dma_wait3A_1103, %dma_wait3A_1104] : memref<3276800x32xf32, #tpu.memory_space<hbm>> -> memref<1024x32xf32, #tpu.memory_space<hbm>>
      tpu.wait_dma2 semaphore(%arg12 : memref<!tpu.dma_semaphore, #tpu.memory_space<semaphore_mem>>) src(%dma_wait3A_1105 : memref<1024x32xf32, #tpu.memory_space<hbm>>) dst(%dma_wait3A_1102 : memref<1024x32xf32, #tpu.memory_space<vmem>>)
      %mul3A_1106 = arith.constant 1024 : i32
      %mul3A_1107 = arith.muli %add3A_1090, %mul3A_1106 : i32
      %add3A_1108 = arith.addi %mul3A_2, %mul3A_1107 : i32
      %multiple_of3A_1109 = tpu.assume_multiple %add3A_1108, 1024 : i32
      %jit3A_1110 = arith.constant 128 : i32
      %div3A_1111 = arith.divsi %multiple_of3A_1109, %jit3A_1110 : i32
      %sign3A_1112 = arith.constant 0 : i32
      %sign3A_1113 = arith.cmpi sgt, %multiple_of3A_1109, %sign3A_1112 : i32
      %sign3A_1114 = arith.extui %sign3A_1113 : i1 to i32
      %sign3A_1115 = arith.constant 0 : i32
      %sign3A_1116 = arith.cmpi slt, %multiple_of3A_1109, %sign3A_1115 : i32
      %sign3A_1117 = arith.extui %sign3A_1116 : i1 to i32
      %sign3A_1118 = arith.subi %sign3A_1114, %sign3A_1117 : i32
      %sign3A_1119 = arith.constant 0 : i32
      %sign3A_1120 = arith.cmpi sgt, %jit3A_1110, %sign3A_1119 : i32
      %sign3A_1121 = arith.extui %sign3A_1120 : i1 to i32
      %sign3A_1122 = arith.constant 0 : i32
      %sign3A_1123 = arith.cmpi slt, %jit3A_1110, %sign3A_1122 : i32
      %sign3A_1124 = arith.extui %sign3A_1123 : i1 to i32
      %sign3A_1125 = arith.subi %sign3A_1121, %sign3A_1124 : i32
      %ne3A_1126 = arith.cmpi ne, %sign3A_1118, %sign3A_1125 : i32
      %rem3A_1127 = arith.remsi %multiple_of3A_1109, %jit3A_1110 : i32
      %ne3A_1128 = arith.constant 0 : i32
      %ne3A_1129 = arith.cmpi ne, %rem3A_1127, %ne3A_1128 : i32
      %and3A_1130 = arith.andi %ne3A_1126, %ne3A_1129 : i1
      %sub3A_1131 = arith.constant 1 : i32
      %sub3A_1132 = arith.subi %div3A_1111, %sub3A_1131 : i32
      %select_n3A_1133 = arith.select %and3A_1130, %sub3A_1132, %div3A_1111 : i32
      %multiple_of3A_1134 = tpu.assume_multiple %select_n3A_1133, 8 : i32
      %run_scoped3A_1135 = arith.constant 2 : i32
      "tpu.region"() ({
        %run_scoped3A_1274 = tpu.sem_alloc : memref<!tpu.dma_semaphore, #tpu.memory_space<semaphore_mem>>
        %dma_start3A_1275 = arith.constant 0 : i32
        %dma_start3A_1276 = arith.constant 0 : i32
        %dma_start3A_1277 = tpu.memref_slice %arg5[%run_scoped3A_1135, %dma_start3A_1275, %dma_start3A_1276] : memref<3x8x128xi32, #tpu.memory_space<vmem>> -> memref<1x8x128xi32, #tpu.memory_space<vmem>>
        %dma_start3A_1278 = tpu.memref_squeeze %dma_start3A_1277 : memref<1x8x128xi32, #tpu.memory_space<vmem>> -> memref<8x128xi32, #tpu.memory_space<vmem>>
        %dma_start3A_1279 = arith.constant 0 : i32
        %dma_start3A_1280 = tpu.memref_slice %arg2[%multiple_of3A_1134, %dma_start3A_1279] : memref<25600x128xi32, #tpu.memory_space<hbm>> -> memref<8x128xi32, #tpu.memory_space<hbm>>
        %dma_start3A_1281 = arith.constant 0 : i32
        %dma_start3A_1282 = arith.constant 0 : i32
        %dma_start3A_1283 = tpu.memref_slice %arg5[%run_scoped3A_1135, %dma_start3A_1281, %dma_start3A_1282] : memref<3x8x128xi32, #tpu.memory_space<vmem>> -> memref<1x8x128xi32, #tpu.memory_space<vmem>>
        %dma_start3A_1284 = tpu.memref_squeeze %dma_start3A_1283 : memref<1x8x128xi32, #tpu.memory_space<vmem>> -> memref<8x128xi32, #tpu.memory_space<vmem>>
        %dma_start3A_1285 = arith.constant 0 : i32
        %dma_start3A_1286 = tpu.memref_slice %arg2[%multiple_of3A_1134, %dma_start3A_1285] : memref<25600x128xi32, #tpu.memory_space<hbm>> -> memref<8x128xi32, #tpu.memory_space<hbm>>
        tpu.enqueue_dma source(%dma_start3A_1286 : memref<8x128xi32, #tpu.memory_space<hbm>>) target(%dma_start3A_1284 : memref<8x128xi32, #tpu.memory_space<vmem>>) target_semaphore(%run_scoped3A_1274 : memref<!tpu.dma_semaphore, #tpu.memory_space<semaphore_mem>>)
        %dma_wait3A_1287 = arith.constant 0 : i32
        %dma_wait3A_1288 = arith.constant 0 : i32
        %dma_wait3A_1289 = tpu.memref_slice %arg5[%run_scoped3A_1135, %dma_wait3A_1287, %dma_wait3A_1288] : memref<3x8x128xi32, #tpu.memory_space<vmem>> -> memref<1x8x128xi32, #tpu.memory_space<vmem>>
        %dma_wait3A_1290 = tpu.memref_squeeze %dma_wait3A_1289 : memref<1x8x128xi32, #tpu.memory_space<vmem>> -> memref<8x128xi32, #tpu.memory_space<vmem>>
        %dma_wait3A_1291 = arith.constant 0 : i32
        %dma_wait3A_1292 = tpu.memref_slice %arg2[%multiple_of3A_1134, %dma_wait3A_1291] : memref<25600x128xi32, #tpu.memory_space<hbm>> -> memref<8x128xi32, #tpu.memory_space<hbm>>
        %dma_wait3A_1293 = arith.constant 0 : i32
        %dma_wait3A_1294 = arith.constant 0 : i32
        %dma_wait3A_1295 = tpu.memref_slice %arg5[%run_scoped3A_1135, %dma_wait3A_1293, %dma_wait3A_1294] : memref<3x8x128xi32, #tpu.memory_space<vmem>> -> memref<1x8x128xi32, #tpu.memory_space<vmem>>
        %dma_wait3A_1296 = tpu.memref_squeeze %dma_wait3A_1295 : memref<1x8x128xi32, #tpu.memory_space<vmem>> -> memref<8x128xi32, #tpu.memory_space<vmem>>
        %dma_wait3A_1297 = arith.constant 0 : i32
        %dma_wait3A_1298 = tpu.memref_slice %arg2[%multiple_of3A_1134, %dma_wait3A_1297] : memref<25600x128xi32, #tpu.memory_space<hbm>> -> memref<8x128xi32, #tpu.memory_space<hbm>>
        tpu.wait_dma2 semaphore(%run_scoped3A_1274 : memref<!tpu.dma_semaphore, #tpu.memory_space<semaphore_mem>>) src(%dma_wait3A_1298 : memref<8x128xi32, #tpu.memory_space<hbm>>) dst(%dma_wait3A_1296 : memref<8x128xi32, #tpu.memory_space<vmem>>)
        tpu.yield
      }) : () -> ()
      %dma_start3A_1136 = arith.constant 2 : i32
      %dma_start3A_1137 = arith.constant 0 : i32
      %dma_start3A_1138 = arith.constant 2 : i32
      %dma_start3A_1139 = arith.constant 0 : i32
      %dma_start3A_1140 = arith.constant 0 : i32
      %dma_start3A_1141 = tpu.memref_slice %arg6[%dma_start3A_1138, %dma_start3A_1139, %dma_start3A_1140] : memref<3x1024x32xf32, #tpu.memory_space<vmem>> -> memref<1x128x32xf32, #tpu.memory_space<vmem>>
      %dma_start3A_1142 = tpu.memref_squeeze %dma_start3A_1141 : memref<1x128x32xf32, #tpu.memory_space<vmem>> -> memref<128x32xf32, #tpu.memory_space<vmem>>
      %dma_start3A_1143 = arith.constant 0 : i32
      %dma_start3A_1144 = tpu.memref_slice %arg5[%dma_start3A_1136, %dma_start3A_1137, %dma_start3A_1143] : memref<3x8x128xi32, #tpu.memory_space<vmem>> -> memref<1x1x128xi32, #tpu.memory_space<vmem>>
      %dma_start3A_1145 = tpu.memref_squeeze %dma_start3A_1144 : memref<1x1x128xi32, #tpu.memory_space<vmem>> -> memref<128xi32, #tpu.memory_space<vmem>>
      %dma_start3A_1146 = arith.constant 0 : i32
      %dma_start3A_1147 = arith.constant 0 : i32
      %dma_start3A_1148 = tpu.memref_slice %arg3[%dma_start3A_1146, %dma_start3A_1147] : memref<1000000x32xf32, #tpu.memory_space<hbm>> -> memref<1000000x32xf32, #tpu.memory_space<hbm>>
      tpu.enqueue_indirect_dma source(%dma_start3A_1148 : memref<1000000x32xf32, #tpu.memory_space<hbm>>) target(%dma_start3A_1142 : memref<128x32xf32, #tpu.memory_space<vmem>>) offsets(%dma_start3A_1145 : memref<128xi32, #tpu.memory_space<vmem>>) semaphore(%arg9 : memref<!tpu.dma_semaphore, #tpu.memory_space<semaphore_mem>>)
      %dma_start3A_1149 = arith.constant 2 : i32
      %dma_start3A_1150 = arith.constant 1 : i32
      %dma_start3A_1151 = arith.constant 2 : i32
      %dma_start3A_1152 = arith.constant 128 : i32
      %dma_start3A_1153 = arith.constant 0 : i32
      %dma_start3A_1154 = tpu.memref_slice %arg6[%dma_start3A_1151, %dma_start3A_1152, %dma_start3A_1153] : memref<3x1024x32xf32, #tpu.memory_space<vmem>> -> memref<1x128x32xf32, #tpu.memory_space<vmem>>
      %dma_start3A_1155 = tpu.memref_squeeze %dma_start3A_1154 : memref<1x128x32xf32, #tpu.memory_space<vmem>> -> memref<128x32xf32, #tpu.memory_space<vmem>>
      %dma_start3A_1156 = arith.constant 0 : i32
      %dma_start3A_1157 = tpu.memref_slice %arg5[%dma_start3A_1149, %dma_start3A_1150, %dma_start3A_1156] : memref<3x8x128xi32, #tpu.memory_space<vmem>> -> memref<1x1x128xi32, #tpu.memory_space<vmem>>
      %dma_start3A_1158 = tpu.memref_squeeze %dma_start3A_1157 : memref<1x1x128xi32, #tpu.memory_space<vmem>> -> memref<128xi32, #tpu.memory_space<vmem>>
      %dma_start3A_1159 = arith.constant 0 : i32
      %dma_start3A_1160 = arith.constant 0 : i32
      %dma_start3A_1161 = tpu.memref_slice %arg3[%dma_start3A_1159, %dma_start3A_1160] : memref<1000000x32xf32, #tpu.memory_space<hbm>> -> memref<1000000x32xf32, #tpu.memory_space<hbm>>
      tpu.enqueue_indirect_dma source(%dma_start3A_1161 : memref<1000000x32xf32, #tpu.memory_space<hbm>>) target(%dma_start3A_1155 : memref<128x32xf32, #tpu.memory_space<vmem>>) offsets(%dma_start3A_1158 : memref<128xi32, #tpu.memory_space<vmem>>) semaphore(%arg9 : memref<!tpu.dma_semaphore, #tpu.memory_space<semaphore_mem>>)
      %dma_start3A_1162 = arith.constant 2 : i32
      %dma_start3A_1163 = arith.constant 2 : i32
      %dma_start3A_1164 = arith.constant 2 : i32
      %dma_start3A_1165 = arith.constant 256 : i32
      %dma_start3A_1166 = arith.constant 0 : i32
      %dma_start3A_1167 = tpu.memref_slice %arg6[%dma_start3A_1164, %dma_start3A_1165, %dma_start3A_1166] : memref<3x1024x32xf32, #tpu.memory_space<vmem>> -> memref<1x128x32xf32, #tpu.memory_space<vmem>>
      %dma_start3A_1168 = tpu.memref_squeeze %dma_start3A_1167 : memref<1x128x32xf32, #tpu.memory_space<vmem>> -> memref<128x32xf32, #tpu.memory_space<vmem>>
      %dma_start3A_1169 = arith.constant 0 : i32
      %dma_start3A_1170 = tpu.memref_slice %arg5[%dma_start3A_1162, %dma_start3A_1163, %dma_start3A_1169] : memref<3x8x128xi32, #tpu.memory_space<vmem>> -> memref<1x1x128xi32, #tpu.memory_space<vmem>>
      %dma_start3A_1171 = tpu.memref_squeeze %dma_start3A_1170 : memref<1x1x128xi32, #tpu.memory_space<vmem>> -> memref<128xi32, #tpu.memory_space<vmem>>
      %dma_start3A_1172 = arith.constant 0 : i32
      %dma_start3A_1173 = arith.constant 0 : i32
      %dma_start3A_1174 = tpu.memref_slice %arg3[%dma_start3A_1172, %dma_start3A_1173] : memref<1000000x32xf32, #tpu.memory_space<hbm>> -> memref<1000000x32xf32, #tpu.memory_space<hbm>>
      tpu.enqueue_indirect_dma source(%dma_start3A_1174 : memref<1000000x32xf32, #tpu.memory_space<hbm>>) target(%dma_start3A_1168 : memref<128x32xf32, #tpu.memory_space<vmem>>) offsets(%dma_start3A_1171 : memref<128xi32, #tpu.memory_space<vmem>>) semaphore(%arg9 : memref<!tpu.dma_semaphore, #tpu.memory_space<semaphore_mem>>)
      %dma_start3A_1175 = arith.constant 2 : i32
      %dma_start3A_1176 = arith.constant 3 : i32
      %dma_start3A_1177 = arith.constant 2 : i32
      %dma_start3A_1178 = arith.constant 384 : i32
      %dma_start3A_1179 = arith.constant 0 : i32
      %dma_start3A_1180 = tpu.memref_slice %arg6[%dma_start3A_1177, %dma_start3A_1178, %dma_start3A_1179] : memref<3x1024x32xf32, #tpu.memory_space<vmem>> -> memref<1x128x32xf32, #tpu.memory_space<vmem>>
      %dma_start3A_1181 = tpu.memref_squeeze %dma_start3A_1180 : memref<1x128x32xf32, #tpu.memory_space<vmem>> -> memref<128x32xf32, #tpu.memory_space<vmem>>
      %dma_start3A_1182 = arith.constant 0 : i32
      %dma_start3A_1183 = tpu.memref_slice %arg5[%dma_start3A_1175, %dma_start3A_1176, %dma_start3A_1182] : memref<3x8x128xi32, #tpu.memory_space<vmem>> -> memref<1x1x128xi32, #tpu.memory_space<vmem>>
      %dma_start3A_1184 = tpu.memref_squeeze %dma_start3A_1183 : memref<1x1x128xi32, #tpu.memory_space<vmem>> -> memref<128xi32, #tpu.memory_space<vmem>>
      %dma_start3A_1185 = arith.constant 0 : i32
      %dma_start3A_1186 = arith.constant 0 : i32
      %dma_start3A_1187 = tpu.memref_slice %arg3[%dma_start3A_1185, %dma_start3A_1186] : memref<1000000x32xf32, #tpu.memory_space<hbm>> -> memref<1000000x32xf32, #tpu.memory_space<hbm>>
      tpu.enqueue_indirect_dma source(%dma_start3A_1187 : memref<1000000x32xf32, #tpu.memory_space<hbm>>) target(%dma_start3A_1181 : memref<128x32xf32, #tpu.memory_space<vmem>>) offsets(%dma_start3A_1184 : memref<128xi32, #tpu.memory_space<vmem>>) semaphore(%arg9 : memref<!tpu.dma_semaphore, #tpu.memory_space<semaphore_mem>>)
      %dma_start3A_1188 = arith.constant 2 : i32
      %dma_start3A_1189 = arith.constant 4 : i32
      %dma_start3A_1190 = arith.constant 2 : i32
      %dma_start3A_1191 = arith.constant 512 : i32
      %dma_start3A_1192 = arith.constant 0 : i32
      %dma_start3A_1193 = tpu.memref_slice %arg6[%dma_start3A_1190, %dma_start3A_1191, %dma_start3A_1192] : memref<3x1024x32xf32, #tpu.memory_space<vmem>> -> memref<1x128x32xf32, #tpu.memory_space<vmem>>
      %dma_start3A_1194 = tpu.memref_squeeze %dma_start3A_1193 : memref<1x128x32xf32, #tpu.memory_space<vmem>> -> memref<128x32xf32, #tpu.memory_space<vmem>>
      %dma_start3A_1195 = arith.constant 0 : i32
      %dma_start3A_1196 = tpu.memref_slice %arg5[%dma_start3A_1188, %dma_start3A_1189, %dma_start3A_1195] : memref<3x8x128xi32, #tpu.memory_space<vmem>> -> memref<1x1x128xi32, #tpu.memory_space<vmem>>
      %dma_start3A_1197 = tpu.memref_squeeze %dma_start3A_1196 : memref<1x1x128xi32, #tpu.memory_space<vmem>> -> memref<128xi32, #tpu.memory_space<vmem>>
      %dma_start3A_1198 = arith.constant 0 : i32
      %dma_start3A_1199 = arith.constant 0 : i32
      %dma_start3A_1200 = tpu.memref_slice %arg3[%dma_start3A_1198, %dma_start3A_1199] : memref<1000000x32xf32, #tpu.memory_space<hbm>> -> memref<1000000x32xf32, #tpu.memory_space<hbm>>
      tpu.enqueue_indirect_dma source(%dma_start3A_1200 : memref<1000000x32xf32, #tpu.memory_space<hbm>>) target(%dma_start3A_1194 : memref<128x32xf32, #tpu.memory_space<vmem>>) offsets(%dma_start3A_1197 : memref<128xi32, #tpu.memory_space<vmem>>) semaphore(%arg9 : memref<!tpu.dma_semaphore, #tpu.memory_space<semaphore_mem>>)
      %dma_start3A_1201 = arith.constant 2 : i32
      %dma_start3A_1202 = arith.constant 5 : i32
      %dma_start3A_1203 = arith.constant 2 : i32
      %dma_start3A_1204 = arith.constant 640 : i32
      %dma_start3A_1205 = arith.constant 0 : i32
      %dma_start3A_1206 = tpu.memref_slice %arg6[%dma_start3A_1203, %dma_start3A_1204, %dma_start3A_1205] : memref<3x1024x32xf32, #tpu.memory_space<vmem>> -> memref<1x128x32xf32, #tpu.memory_space<vmem>>
      %dma_start3A_1207 = tpu.memref_squeeze %dma_start3A_1206 : memref<1x128x32xf32, #tpu.memory_space<vmem>> -> memref<128x32xf32, #tpu.memory_space<vmem>>
      %dma_start3A_1208 = arith.constant 0 : i32
      %dma_start3A_1209 = tpu.memref_slice %arg5[%dma_start3A_1201, %dma_start3A_1202, %dma_start3A_1208] : memref<3x8x128xi32, #tpu.memory_space<vmem>> -> memref<1x1x128xi32, #tpu.memory_space<vmem>>
      %dma_start3A_1210 = tpu.memref_squeeze %dma_start3A_1209 : memref<1x1x128xi32, #tpu.memory_space<vmem>> -> memref<128xi32, #tpu.memory_space<vmem>>
      %dma_start3A_1211 = arith.constant 0 : i32
      %dma_start3A_1212 = arith.constant 0 : i32
      %dma_start3A_1213 = tpu.memref_slice %arg3[%dma_start3A_1211, %dma_start3A_1212] : memref<1000000x32xf32, #tpu.memory_space<hbm>> -> memref<1000000x32xf32, #tpu.memory_space<hbm>>
      tpu.enqueue_indirect_dma source(%dma_start3A_1213 : memref<1000000x32xf32, #tpu.memory_space<hbm>>) target(%dma_start3A_1207 : memref<128x32xf32, #tpu.memory_space<vmem>>) offsets(%dma_start3A_1210 : memref<128xi32, #tpu.memory_space<vmem>>) semaphore(%arg9 : memref<!tpu.dma_semaphore, #tpu.memory_space<semaphore_mem>>)
      %dma_start3A_1214 = arith.constant 2 : i32
      %dma_start3A_1215 = arith.constant 6 : i32
      %dma_start3A_1216 = arith.constant 2 : i32
      %dma_start3A_1217 = arith.constant 768 : i32
      %dma_start3A_1218 = arith.constant 0 : i32
      %dma_start3A_1219 = tpu.memref_slice %arg6[%dma_start3A_1216, %dma_start3A_1217, %dma_start3A_1218] : memref<3x1024x32xf32, #tpu.memory_space<vmem>> -> memref<1x128x32xf32, #tpu.memory_space<vmem>>
      %dma_start3A_1220 = tpu.memref_squeeze %dma_start3A_1219 : memref<1x128x32xf32, #tpu.memory_space<vmem>> -> memref<128x32xf32, #tpu.memory_space<vmem>>
      %dma_start3A_1221 = arith.constant 0 : i32
      %dma_start3A_1222 = tpu.memref_slice %arg5[%dma_start3A_1214, %dma_start3A_1215, %dma_start3A_1221] : memref<3x8x128xi32, #tpu.memory_space<vmem>> -> memref<1x1x128xi32, #tpu.memory_space<vmem>>
      %dma_start3A_1223 = tpu.memref_squeeze %dma_start3A_1222 : memref<1x1x128xi32, #tpu.memory_space<vmem>> -> memref<128xi32, #tpu.memory_space<vmem>>
      %dma_start3A_1224 = arith.constant 0 : i32
      %dma_start3A_1225 = arith.constant 0 : i32
      %dma_start3A_1226 = tpu.memref_slice %arg3[%dma_start3A_1224, %dma_start3A_1225] : memref<1000000x32xf32, #tpu.memory_space<hbm>> -> memref<1000000x32xf32, #tpu.memory_space<hbm>>
      tpu.enqueue_indirect_dma source(%dma_start3A_1226 : memref<1000000x32xf32, #tpu.memory_space<hbm>>) target(%dma_start3A_1220 : memref<128x32xf32, #tpu.memory_space<vmem>>) offsets(%dma_start3A_1223 : memref<128xi32, #tpu.memory_space<vmem>>) semaphore(%arg9 : memref<!tpu.dma_semaphore, #tpu.memory_space<semaphore_mem>>)
      %dma_start3A_1227 = arith.constant 2 : i32
      %dma_start3A_1228 = arith.constant 7 : i32
      %dma_start3A_1229 = arith.constant 2 : i32
      %dma_start3A_1230 = arith.constant 896 : i32
      %dma_start3A_1231 = arith.constant 0 : i32
      %dma_start3A_1232 = tpu.memref_slice %arg6[%dma_start3A_1229, %dma_start3A_1230, %dma_start3A_1231] : memref<3x1024x32xf32, #tpu.memory_space<vmem>> -> memref<1x128x32xf32, #tpu.memory_space<vmem>>
      %dma_start3A_1233 = tpu.memref_squeeze %dma_start3A_1232 : memref<1x128x32xf32, #tpu.memory_space<vmem>> -> memref<128x32xf32, #tpu.memory_space<vmem>>
      %dma_start3A_1234 = arith.constant 0 : i32
      %dma_start3A_1235 = tpu.memref_slice %arg5[%dma_start3A_1227, %dma_start3A_1228, %dma_start3A_1234] : memref<3x8x128xi32, #tpu.memory_space<vmem>> -> memref<1x1x128xi32, #tpu.memory_space<vmem>>
      %dma_start3A_1236 = tpu.memref_squeeze %dma_start3A_1235 : memref<1x1x128xi32, #tpu.memory_space<vmem>> -> memref<128xi32, #tpu.memory_space<vmem>>
      %dma_start3A_1237 = arith.constant 0 : i32
      %dma_start3A_1238 = arith.constant 0 : i32
      %dma_start3A_1239 = tpu.memref_slice %arg3[%dma_start3A_1237, %dma_start3A_1238] : memref<1000000x32xf32, #tpu.memory_space<hbm>> -> memref<1000000x32xf32, #tpu.memory_space<hbm>>
      tpu.enqueue_indirect_dma source(%dma_start3A_1239 : memref<1000000x32xf32, #tpu.memory_space<hbm>>) target(%dma_start3A_1233 : memref<128x32xf32, #tpu.memory_space<vmem>>) offsets(%dma_start3A_1236 : memref<128xi32, #tpu.memory_space<vmem>>) semaphore(%arg9 : memref<!tpu.dma_semaphore, #tpu.memory_space<semaphore_mem>>)
      %dma_wait3A_1240 = arith.constant 1 : i32
      %dma_wait3A_1241 = arith.constant 0 : i32
      %dma_wait3A_1242 = arith.constant 0 : i32
      %dma_wait3A_1243 = tpu.memref_slice %arg6[%dma_wait3A_1240, %dma_wait3A_1241, %dma_wait3A_1242] : memref<3x1024x32xf32, #tpu.memory_space<vmem>> -> memref<1x1024x32xf32, #tpu.memory_space<vmem>>
      %dma_wait3A_1244 = tpu.memref_squeeze %dma_wait3A_1243 : memref<1x1024x32xf32, #tpu.memory_space<vmem>> -> memref<1024x32xf32, #tpu.memory_space<vmem>>
      %dma_wait3A_1245 = arith.constant 0 : i32
      %dma_wait3A_1246 = arith.constant 0 : i32
      %dma_wait3A_1247 = tpu.memref_slice %arg4[%dma_wait3A_1245, %dma_wait3A_1246] : memref<3276800x32xf32, #tpu.memory_space<hbm>> -> memref<1024x32xf32, #tpu.memory_space<hbm>>
      %dma_wait3A_1248 = arith.constant 0 : i32
      %dma_wait3A_1249 = arith.constant 0 : i32
      %dma_wait3A_1250 = tpu.memref_slice %arg6[%dma_wait3A_1240, %dma_wait3A_1248, %dma_wait3A_1249] : memref<3x1024x32xf32, #tpu.memory_space<vmem>> -> memref<1x1024x32xf32, #tpu.memory_space<vmem>>
      %dma_wait3A_1251 = tpu.memref_squeeze %dma_wait3A_1250 : memref<1x1024x32xf32, #tpu.memory_space<vmem>> -> memref<1024x32xf32, #tpu.memory_space<vmem>>
      %dma_wait3A_1252 = arith.constant 0 : i32
      %dma_wait3A_1253 = arith.constant 0 : i32
      %dma_wait3A_1254 = tpu.memref_slice %arg4[%dma_wait3A_1252, %dma_wait3A_1253] : memref<3276800x32xf32, #tpu.memory_space<hbm>> -> memref<1024x32xf32, #tpu.memory_space<hbm>>
      tpu.wait_dma2 semaphore(%arg8 : memref<!tpu.dma_semaphore, #tpu.memory_space<semaphore_mem>>) src(%dma_wait3A_1254 : memref<1024x32xf32, #tpu.memory_space<hbm>>) dst(%dma_wait3A_1251 : memref<1024x32xf32, #tpu.memory_space<vmem>>)
      %sub3A_1255 = arith.constant 1 : i32
      %sub3A_1256 = arith.subi %add3A_1090, %sub3A_1255 : i32
      %mul3A_1257 = arith.constant 1024 : i32
      %mul3A_1258 = arith.muli %sub3A_1256, %mul3A_1257 : i32
      %add3A_1259 = arith.addi %mul3A_2, %mul3A_1258 : i32
      %multiple_of3A_1260 = tpu.assume_multiple %add3A_1259, 1024 : i32
      %dma_start3A_1261 = arith.constant 1 : i32
      %dma_start3A_1262 = arith.constant 0 : i32
      %dma_start3A_1263 = arith.constant 0 : i32
      %dma_start3A_1264 = tpu.memref_slice %arg6[%dma_start3A_1261, %dma_start3A_1262, %dma_start3A_1263] : memref<3x1024x32xf32, #tpu.memory_space<vmem>> -> memref<1x1024x32xf32, #tpu.memory_space<vmem>>
      %dma_start3A_1265 = tpu.memref_squeeze %dma_start3A_1264 : memref<1x1024x32xf32, #tpu.memory_space<vmem>> -> memref<1024x32xf32, #tpu.memory_space<vmem>>
      %dma_start3A_1266 = arith.constant 0 : i32
      %dma_start3A_1267 = tpu.memref_slice %arg4[%multiple_of3A_1260, %dma_start3A_1266] : memref<3276800x32xf32, #tpu.memory_space<hbm>> -> memref<1024x32xf32, #tpu.memory_space<hbm>>
      %dma_start3A_1268 = arith.constant 0 : i32
      %dma_start3A_1269 = tpu.memref_slice %arg4[%multiple_of3A_1260, %dma_start3A_1268] : memref<3276800x32xf32, #tpu.memory_space<hbm>> -> memref<1024x32xf32, #tpu.memory_space<hbm>>
      %dma_start3A_1270 = arith.constant 0 : i32
      %dma_start3A_1271 = arith.constant 0 : i32
      %dma_start3A_1272 = tpu.memref_slice %arg6[%dma_start3A_1261, %dma_start3A_1270, %dma_start3A_1271] : memref<3x1024x32xf32, #tpu.memory_space<vmem>> -> memref<1x1024x32xf32, #tpu.memory_space<vmem>>
      %dma_start3A_1273 = tpu.memref_squeeze %dma_start3A_1272 : memref<1x1024x32xf32, #tpu.memory_space<vmem>> -> memref<1024x32xf32, #tpu.memory_space<vmem>>
      tpu.enqueue_dma source(%dma_start3A_1273 : memref<1024x32xf32, #tpu.memory_space<vmem>>) target(%dma_start3A_1269 : memref<1024x32xf32, #tpu.memory_space<hbm>>) target_semaphore(%arg11 : memref<!tpu.dma_semaphore, #tpu.memory_space<semaphore_mem>>)
    }
    %scan3A_456 = arith.constant 32 : i32
    %dma_wait3A_457 = arith.constant 0 : i32
    %dma_wait3A_458 = arith.constant 0 : i32
    %dma_wait3A_459 = arith.constant 0 : i32
    %dma_wait3A_460 = tpu.memref_slice %arg6[%dma_wait3A_457, %dma_wait3A_458, %dma_wait3A_459] : memref<3x1024x32xf32, #tpu.memory_space<vmem>> -> memref<1x1024x32xf32, #tpu.memory_space<vmem>>
    %dma_wait3A_461 = tpu.memref_squeeze %dma_wait3A_460 : memref<1x1024x32xf32, #tpu.memory_space<vmem>> -> memref<1024x32xf32, #tpu.memory_space<vmem>>
    %dma_wait3A_462 = arith.constant 0 : i32
    %dma_wait3A_463 = arith.constant 0 : i32
    %dma_wait3A_464 = tpu.memref_slice %arg4[%dma_wait3A_462, %dma_wait3A_463] : memref<3276800x32xf32, #tpu.memory_space<hbm>> -> memref<1024x32xf32, #tpu.memory_space<hbm>>
    %dma_wait3A_465 = arith.constant 0 : i32
    %dma_wait3A_466 = arith.constant 0 : i32
    %dma_wait3A_467 = tpu.memref_slice %arg6[%dma_wait3A_457, %dma_wait3A_465, %dma_wait3A_466] : memref<3x1024x32xf32, #tpu.memory_space<vmem>> -> memref<1x1024x32xf32, #tpu.memory_space<vmem>>
    %dma_wait3A_468 = tpu.memref_squeeze %dma_wait3A_467 : memref<1x1024x32xf32, #tpu.memory_space<vmem>> -> memref<1024x32xf32, #tpu.memory_space<vmem>>
    %dma_wait3A_469 = arith.constant 0 : i32
    %dma_wait3A_470 = arith.constant 0 : i32
    %dma_wait3A_471 = tpu.memref_slice %arg4[%dma_wait3A_469, %dma_wait3A_470] : memref<3276800x32xf32, #tpu.memory_space<hbm>> -> memref<1024x32xf32, #tpu.memory_space<hbm>>
    tpu.wait_dma2 semaphore(%arg10 : memref<!tpu.dma_semaphore, #tpu.memory_space<semaphore_mem>>) src(%dma_wait3A_471 : memref<1024x32xf32, #tpu.memory_space<hbm>>) dst(%dma_wait3A_468 : memref<1024x32xf32, #tpu.memory_space<vmem>>)
    %add3A_472 = arith.constant 101376 : i32
    %add3A_473 = arith.addi %mul3A_2, %add3A_472 : i32
    %multiple_of3A_474 = tpu.assume_multiple %add3A_473, 1024 : i32
    %jit3A_475 = arith.constant 128 : i32
    %div3A_476 = arith.divsi %multiple_of3A_474, %jit3A_475 : i32
    %sign3A_477 = arith.constant 0 : i32
    %sign3A_478 = arith.cmpi sgt, %multiple_of3A_474, %sign3A_477 : i32
    %sign3A_479 = arith.extui %sign3A_478 : i1 to i32
    %sign3A_480 = arith.constant 0 : i32
    %sign3A_481 = arith.cmpi slt, %multiple_of3A_474, %sign3A_480 : i32
    %sign3A_482 = arith.extui %sign3A_481 : i1 to i32
    %sign3A_483 = arith.subi %sign3A_479, %sign3A_482 : i32
    %sign3A_484 = arith.constant 0 : i32
    %sign3A_485 = arith.cmpi sgt, %jit3A_475, %sign3A_484 : i32
    %sign3A_486 = arith.extui %sign3A_485 : i1 to i32
    %sign3A_487 = arith.constant 0 : i32
    %sign3A_488 = arith.cmpi slt, %jit3A_475, %sign3A_487 : i32
    %sign3A_489 = arith.extui %sign3A_488 : i1 to i32
    %sign3A_490 = arith.subi %sign3A_486, %sign3A_489 : i32
    %ne3A_491 = arith.cmpi ne, %sign3A_483, %sign3A_490 : i32
    %rem3A_492 = arith.remsi %multiple_of3A_474, %jit3A_475 : i32
    %ne3A_493 = arith.constant 0 : i32
    %ne3A_494 = arith.cmpi ne, %rem3A_492, %ne3A_493 : i32
    %and3A_495 = arith.andi %ne3A_491, %ne3A_494 : i1
    %sub3A_496 = arith.constant 1 : i32
    %sub3A_497 = arith.subi %div3A_476, %sub3A_496 : i32
    %select_n3A_498 = arith.select %and3A_495, %sub3A_497, %div3A_476 : i32
    %multiple_of3A_499 = tpu.assume_multiple %select_n3A_498, 8 : i32
    %run_scoped3A_500 = arith.constant 0 : i32
    "tpu.region"() ({
      %run_scoped3A_712 = tpu.sem_alloc : memref<!tpu.dma_semaphore, #tpu.memory_space<semaphore_mem>>
      %dma_start3A_713 = arith.constant 0 : i32
      %dma_start3A_714 = arith.constant 0 : i32
      %dma_start3A_715 = tpu.memref_slice %arg5[%run_scoped3A_500, %dma_start3A_713, %dma_start3A_714] : memref<3x8x128xi32, #tpu.memory_space<vmem>> -> memref<1x8x128xi32, #tpu.memory_space<vmem>>
      %dma_start3A_716 = tpu.memref_squeeze %dma_start3A_715 : memref<1x8x128xi32, #tpu.memory_space<vmem>> -> memref<8x128xi32, #tpu.memory_space<vmem>>
      %dma_start3A_717 = arith.constant 0 : i32
      %dma_start3A_718 = tpu.memref_slice %arg2[%multiple_of3A_499, %dma_start3A_717] : memref<25600x128xi32, #tpu.memory_space<hbm>> -> memref<8x128xi32, #tpu.memory_space<hbm>>
      %dma_start3A_719 = arith.constant 0 : i32
      %dma_start3A_720 = arith.constant 0 : i32
      %dma_start3A_721 = tpu.memref_slice %arg5[%run_scoped3A_500, %dma_start3A_719, %dma_start3A_720] : memref<3x8x128xi32, #tpu.memory_space<vmem>> -> memref<1x8x128xi32, #tpu.memory_space<vmem>>
      %dma_start3A_722 = tpu.memref_squeeze %dma_start3A_721 : memref<1x8x128xi32, #tpu.memory_space<vmem>> -> memref<8x128xi32, #tpu.memory_space<vmem>>
      %dma_start3A_723 = arith.constant 0 : i32
      %dma_start3A_724 = tpu.memref_slice %arg2[%multiple_of3A_499, %dma_start3A_723] : memref<25600x128xi32, #tpu.memory_space<hbm>> -> memref<8x128xi32, #tpu.memory_space<hbm>>
      tpu.enqueue_dma source(%dma_start3A_724 : memref<8x128xi32, #tpu.memory_space<hbm>>) target(%dma_start3A_722 : memref<8x128xi32, #tpu.memory_space<vmem>>) target_semaphore(%run_scoped3A_712 : memref<!tpu.dma_semaphore, #tpu.memory_space<semaphore_mem>>)
      %dma_wait3A_725 = arith.constant 0 : i32
      %dma_wait3A_726 = arith.constant 0 : i32
      %dma_wait3A_727 = tpu.memref_slice %arg5[%run_scoped3A_500, %dma_wait3A_725, %dma_wait3A_726] : memref<3x8x128xi32, #tpu.memory_space<vmem>> -> memref<1x8x128xi32, #tpu.memory_space<vmem>>
      %dma_wait3A_728 = tpu.memref_squeeze %dma_wait3A_727 : memref<1x8x128xi32, #tpu.memory_space<vmem>> -> memref<8x128xi32, #tpu.memory_space<vmem>>
      %dma_wait3A_729 = arith.constant 0 : i32
      %dma_wait3A_730 = tpu.memref_slice %arg2[%multiple_of3A_499, %dma_wait3A_729] : memref<25600x128xi32, #tpu.memory_space<hbm>> -> memref<8x128xi32, #tpu.memory_space<hbm>>
      %dma_wait3A_731 = arith.constant 0 : i32
      %dma_wait3A_732 = arith.constant 0 : i32
      %dma_wait3A_733 = tpu.memref_slice %arg5[%run_scoped3A_500, %dma_wait3A_731, %dma_wait3A_732] : memref<3x8x128xi32, #tpu.memory_space<vmem>> -> memref<1x8x128xi32, #tpu.memory_space<vmem>>
      %dma_wait3A_734 = tpu.memref_squeeze %dma_wait3A_733 : memref<1x8x128xi32, #tpu.memory_space<vmem>> -> memref<8x128xi32, #tpu.memory_space<vmem>>
      %dma_wait3A_735 = arith.constant 0 : i32
      %dma_wait3A_736 = tpu.memref_slice %arg2[%multiple_of3A_499, %dma_wait3A_735] : memref<25600x128xi32, #tpu.memory_space<hbm>> -> memref<8x128xi32, #tpu.memory_space<hbm>>
      tpu.wait_dma2 semaphore(%run_scoped3A_712 : memref<!tpu.dma_semaphore, #tpu.memory_space<semaphore_mem>>) src(%dma_wait3A_736 : memref<8x128xi32, #tpu.memory_space<hbm>>) dst(%dma_wait3A_734 : memref<8x128xi32, #tpu.memory_space<vmem>>)
      tpu.yield
    }) : () -> ()
    %dma_start3A_501 = arith.constant 0 : i32
    %dma_start3A_502 = arith.constant 0 : i32
    %dma_start3A_503 = arith.constant 0 : i32
    %dma_start3A_504 = arith.constant 0 : i32
    %dma_start3A_505 = arith.constant 0 : i32
    %dma_start3A_506 = tpu.memref_slice %arg6[%dma_start3A_503, %dma_start3A_504, %dma_start3A_505] : memref<3x1024x32xf32, #tpu.memory_space<vmem>> -> memref<1x128x32xf32, #tpu.memory_space<vmem>>
    %dma_start3A_507 = tpu.memref_squeeze %dma_start3A_506 : memref<1x128x32xf32, #tpu.memory_space<vmem>> -> memref<128x32xf32, #tpu.memory_space<vmem>>
    %dma_start3A_508 = arith.constant 0 : i32
    %dma_start3A_509 = tpu.memref_slice %arg5[%dma_start3A_501, %dma_start3A_502, %dma_start3A_508] : memref<3x8x128xi32, #tpu.memory_space<vmem>> -> memref<1x1x128xi32, #tpu.memory_space<vmem>>
    %dma_start3A_510 = tpu.memref_squeeze %dma_start3A_509 : memref<1x1x128xi32, #tpu.memory_space<vmem>> -> memref<128xi32, #tpu.memory_space<vmem>>
    %dma_start3A_511 = arith.constant 0 : i32
    %dma_start3A_512 = arith.constant 0 : i32
    %dma_start3A_513 = tpu.memref_slice %arg3[%dma_start3A_511, %dma_start3A_512] : memref<1000000x32xf32, #tpu.memory_space<hbm>> -> memref<1000000x32xf32, #tpu.memory_space<hbm>>
    tpu.enqueue_indirect_dma source(%dma_start3A_513 : memref<1000000x32xf32, #tpu.memory_space<hbm>>) target(%dma_start3A_507 : memref<128x32xf32, #tpu.memory_space<vmem>>) offsets(%dma_start3A_510 : memref<128xi32, #tpu.memory_space<vmem>>) semaphore(%arg7 : memref<!tpu.dma_semaphore, #tpu.memory_space<semaphore_mem>>)
    %dma_start3A_514 = arith.constant 0 : i32
    %dma_start3A_515 = arith.constant 1 : i32
    %dma_start3A_516 = arith.constant 0 : i32
    %dma_start3A_517 = arith.constant 128 : i32
    %dma_start3A_518 = arith.constant 0 : i32
    %dma_start3A_519 = tpu.memref_slice %arg6[%dma_start3A_516, %dma_start3A_517, %dma_start3A_518] : memref<3x1024x32xf32, #tpu.memory_space<vmem>> -> memref<1x128x32xf32, #tpu.memory_space<vmem>>
    %dma_start3A_520 = tpu.memref_squeeze %dma_start3A_519 : memref<1x128x32xf32, #tpu.memory_space<vmem>> -> memref<128x32xf32, #tpu.memory_space<vmem>>
    %dma_start3A_521 = arith.constant 0 : i32
    %dma_start3A_522 = tpu.memref_slice %arg5[%dma_start3A_514, %dma_start3A_515, %dma_start3A_521] : memref<3x8x128xi32, #tpu.memory_space<vmem>> -> memref<1x1x128xi32, #tpu.memory_space<vmem>>
    %dma_start3A_523 = tpu.memref_squeeze %dma_start3A_522 : memref<1x1x128xi32, #tpu.memory_space<vmem>> -> memref<128xi32, #tpu.memory_space<vmem>>
    %dma_start3A_524 = arith.constant 0 : i32
    %dma_start3A_525 = arith.constant 0 : i32
    %dma_start3A_526 = tpu.memref_slice %arg3[%dma_start3A_524, %dma_start3A_525] : memref<1000000x32xf32, #tpu.memory_space<hbm>> -> memref<1000000x32xf32, #tpu.memory_space<hbm>>
    tpu.enqueue_indirect_dma source(%dma_start3A_526 : memref<1000000x32xf32, #tpu.memory_space<hbm>>) target(%dma_start3A_520 : memref<128x32xf32, #tpu.memory_space<vmem>>) offsets(%dma_start3A_523 : memref<128xi32, #tpu.memory_space<vmem>>) semaphore(%arg7 : memref<!tpu.dma_semaphore, #tpu.memory_space<semaphore_mem>>)
    %dma_start3A_527 = arith.constant 0 : i32
    %dma_start3A_528 = arith.constant 2 : i32
    %dma_start3A_529 = arith.constant 0 : i32
    %dma_start3A_530 = arith.constant 256 : i32
    %dma_start3A_531 = arith.constant 0 : i32
    %dma_start3A_532 = tpu.memref_slice %arg6[%dma_start3A_529, %dma_start3A_530, %dma_start3A_531] : memref<3x1024x32xf32, #tpu.memory_space<vmem>> -> memref<1x128x32xf32, #tpu.memory_space<vmem>>
    %dma_start3A_533 = tpu.memref_squeeze %dma_start3A_532 : memref<1x128x32xf32, #tpu.memory_space<vmem>> -> memref<128x32xf32, #tpu.memory_space<vmem>>
    %dma_start3A_534 = arith.constant 0 : i32
    %dma_start3A_535 = tpu.memref_slice %arg5[%dma_start3A_527, %dma_start3A_528, %dma_start3A_534] : memref<3x8x128xi32, #tpu.memory_space<vmem>> -> memref<1x1x128xi32, #tpu.memory_space<vmem>>
    %dma_start3A_536 = tpu.memref_squeeze %dma_start3A_535 : memref<1x1x128xi32, #tpu.memory_space<vmem>> -> memref<128xi32, #tpu.memory_space<vmem>>
    %dma_start3A_537 = arith.constant 0 : i32
    %dma_start3A_538 = arith.constant 0 : i32
    %dma_start3A_539 = tpu.memref_slice %arg3[%dma_start3A_537, %dma_start3A_538] : memref<1000000x32xf32, #tpu.memory_space<hbm>> -> memref<1000000x32xf32, #tpu.memory_space<hbm>>
    tpu.enqueue_indirect_dma source(%dma_start3A_539 : memref<1000000x32xf32, #tpu.memory_space<hbm>>) target(%dma_start3A_533 : memref<128x32xf32, #tpu.memory_space<vmem>>) offsets(%dma_start3A_536 : memref<128xi32, #tpu.memory_space<vmem>>) semaphore(%arg7 : memref<!tpu.dma_semaphore, #tpu.memory_space<semaphore_mem>>)
    %dma_start3A_540 = arith.constant 0 : i32
    %dma_start3A_541 = arith.constant 3 : i32
    %dma_start3A_542 = arith.constant 0 : i32
    %dma_start3A_543 = arith.constant 384 : i32
    %dma_start3A_544 = arith.constant 0 : i32
    %dma_start3A_545 = tpu.memref_slice %arg6[%dma_start3A_542, %dma_start3A_543, %dma_start3A_544] : memref<3x1024x32xf32, #tpu.memory_space<vmem>> -> memref<1x128x32xf32, #tpu.memory_space<vmem>>
    %dma_start3A_546 = tpu.memref_squeeze %dma_start3A_545 : memref<1x128x32xf32, #tpu.memory_space<vmem>> -> memref<128x32xf32, #tpu.memory_space<vmem>>
    %dma_start3A_547 = arith.constant 0 : i32
    %dma_start3A_548 = tpu.memref_slice %arg5[%dma_start3A_540, %dma_start3A_541, %dma_start3A_547] : memref<3x8x128xi32, #tpu.memory_space<vmem>> -> memref<1x1x128xi32, #tpu.memory_space<vmem>>
    %dma_start3A_549 = tpu.memref_squeeze %dma_start3A_548 : memref<1x1x128xi32, #tpu.memory_space<vmem>> -> memref<128xi32, #tpu.memory_space<vmem>>
    %dma_start3A_550 = arith.constant 0 : i32
    %dma_start3A_551 = arith.constant 0 : i32
    %dma_start3A_552 = tpu.memref_slice %arg3[%dma_start3A_550, %dma_start3A_551] : memref<1000000x32xf32, #tpu.memory_space<hbm>> -> memref<1000000x32xf32, #tpu.memory_space<hbm>>
    tpu.enqueue_indirect_dma source(%dma_start3A_552 : memref<1000000x32xf32, #tpu.memory_space<hbm>>) target(%dma_start3A_546 : memref<128x32xf32, #tpu.memory_space<vmem>>) offsets(%dma_start3A_549 : memref<128xi32, #tpu.memory_space<vmem>>) semaphore(%arg7 : memref<!tpu.dma_semaphore, #tpu.memory_space<semaphore_mem>>)
    %dma_start3A_553 = arith.constant 0 : i32
    %dma_start3A_554 = arith.constant 4 : i32
    %dma_start3A_555 = arith.constant 0 : i32
    %dma_start3A_556 = arith.constant 512 : i32
    %dma_start3A_557 = arith.constant 0 : i32
    %dma_start3A_558 = tpu.memref_slice %arg6[%dma_start3A_555, %dma_start3A_556, %dma_start3A_557] : memref<3x1024x32xf32, #tpu.memory_space<vmem>> -> memref<1x128x32xf32, #tpu.memory_space<vmem>>
    %dma_start3A_559 = tpu.memref_squeeze %dma_start3A_558 : memref<1x128x32xf32, #tpu.memory_space<vmem>> -> memref<128x32xf32, #tpu.memory_space<vmem>>
    %dma_start3A_560 = arith.constant 0 : i32
    %dma_start3A_561 = tpu.memref_slice %arg5[%dma_start3A_553, %dma_start3A_554, %dma_start3A_560] : memref<3x8x128xi32, #tpu.memory_space<vmem>> -> memref<1x1x128xi32, #tpu.memory_space<vmem>>
    %dma_start3A_562 = tpu.memref_squeeze %dma_start3A_561 : memref<1x1x128xi32, #tpu.memory_space<vmem>> -> memref<128xi32, #tpu.memory_space<vmem>>
    %dma_start3A_563 = arith.constant 0 : i32
    %dma_start3A_564 = arith.constant 0 : i32
    %dma_start3A_565 = tpu.memref_slice %arg3[%dma_start3A_563, %dma_start3A_564] : memref<1000000x32xf32, #tpu.memory_space<hbm>> -> memref<1000000x32xf32, #tpu.memory_space<hbm>>
    tpu.enqueue_indirect_dma source(%dma_start3A_565 : memref<1000000x32xf32, #tpu.memory_space<hbm>>) target(%dma_start3A_559 : memref<128x32xf32, #tpu.memory_space<vmem>>) offsets(%dma_start3A_562 : memref<128xi32, #tpu.memory_space<vmem>>) semaphore(%arg7 : memref<!tpu.dma_semaphore, #tpu.memory_space<semaphore_mem>>)
    %dma_start3A_566 = arith.constant 0 : i32
    %dma_start3A_567 = arith.constant 5 : i32
    %dma_start3A_568 = arith.constant 0 : i32
    %dma_start3A_569 = arith.constant 640 : i32
    %dma_start3A_570 = arith.constant 0 : i32
    %dma_start3A_571 = tpu.memref_slice %arg6[%dma_start3A_568, %dma_start3A_569, %dma_start3A_570] : memref<3x1024x32xf32, #tpu.memory_space<vmem>> -> memref<1x128x32xf32, #tpu.memory_space<vmem>>
    %dma_start3A_572 = tpu.memref_squeeze %dma_start3A_571 : memref<1x128x32xf32, #tpu.memory_space<vmem>> -> memref<128x32xf32, #tpu.memory_space<vmem>>
    %dma_start3A_573 = arith.constant 0 : i32
    %dma_start3A_574 = tpu.memref_slice %arg5[%dma_start3A_566, %dma_start3A_567, %dma_start3A_573] : memref<3x8x128xi32, #tpu.memory_space<vmem>> -> memref<1x1x128xi32, #tpu.memory_space<vmem>>
    %dma_start3A_575 = tpu.memref_squeeze %dma_start3A_574 : memref<1x1x128xi32, #tpu.memory_space<vmem>> -> memref<128xi32, #tpu.memory_space<vmem>>
    %dma_start3A_576 = arith.constant 0 : i32
    %dma_start3A_577 = arith.constant 0 : i32
    %dma_start3A_578 = tpu.memref_slice %arg3[%dma_start3A_576, %dma_start3A_577] : memref<1000000x32xf32, #tpu.memory_space<hbm>> -> memref<1000000x32xf32, #tpu.memory_space<hbm>>
    tpu.enqueue_indirect_dma source(%dma_start3A_578 : memref<1000000x32xf32, #tpu.memory_space<hbm>>) target(%dma_start3A_572 : memref<128x32xf32, #tpu.memory_space<vmem>>) offsets(%dma_start3A_575 : memref<128xi32, #tpu.memory_space<vmem>>) semaphore(%arg7 : memref<!tpu.dma_semaphore, #tpu.memory_space<semaphore_mem>>)
    %dma_start3A_579 = arith.constant 0 : i32
    %dma_start3A_580 = arith.constant 6 : i32
    %dma_start3A_581 = arith.constant 0 : i32
    %dma_start3A_582 = arith.constant 768 : i32
    %dma_start3A_583 = arith.constant 0 : i32
    %dma_start3A_584 = tpu.memref_slice %arg6[%dma_start3A_581, %dma_start3A_582, %dma_start3A_583] : memref<3x1024x32xf32, #tpu.memory_space<vmem>> -> memref<1x128x32xf32, #tpu.memory_space<vmem>>
    %dma_start3A_585 = tpu.memref_squeeze %dma_start3A_584 : memref<1x128x32xf32, #tpu.memory_space<vmem>> -> memref<128x32xf32, #tpu.memory_space<vmem>>
    %dma_start3A_586 = arith.constant 0 : i32
    %dma_start3A_587 = tpu.memref_slice %arg5[%dma_start3A_579, %dma_start3A_580, %dma_start3A_586] : memref<3x8x128xi32, #tpu.memory_space<vmem>> -> memref<1x1x128xi32, #tpu.memory_space<vmem>>
    %dma_start3A_588 = tpu.memref_squeeze %dma_start3A_587 : memref<1x1x128xi32, #tpu.memory_space<vmem>> -> memref<128xi32, #tpu.memory_space<vmem>>
    %dma_start3A_589 = arith.constant 0 : i32
    %dma_start3A_590 = arith.constant 0 : i32
    %dma_start3A_591 = tpu.memref_slice %arg3[%dma_start3A_589, %dma_start3A_590] : memref<1000000x32xf32, #tpu.memory_space<hbm>> -> memref<1000000x32xf32, #tpu.memory_space<hbm>>
    tpu.enqueue_indirect_dma source(%dma_start3A_591 : memref<1000000x32xf32, #tpu.memory_space<hbm>>) target(%dma_start3A_585 : memref<128x32xf32, #tpu.memory_space<vmem>>) offsets(%dma_start3A_588 : memref<128xi32, #tpu.memory_space<vmem>>) semaphore(%arg7 : memref<!tpu.dma_semaphore, #tpu.memory_space<semaphore_mem>>)
    %dma_start3A_592 = arith.constant 0 : i32
    %dma_start3A_593 = arith.constant 7 : i32
    %dma_start3A_594 = arith.constant 0 : i32
    %dma_start3A_595 = arith.constant 896 : i32
    %dma_start3A_596 = arith.constant 0 : i32
    %dma_start3A_597 = tpu.memref_slice %arg6[%dma_start3A_594, %dma_start3A_595, %dma_start3A_596] : memref<3x1024x32xf32, #tpu.memory_space<vmem>> -> memref<1x128x32xf32, #tpu.memory_space<vmem>>
    %dma_start3A_598 = tpu.memref_squeeze %dma_start3A_597 : memref<1x128x32xf32, #tpu.memory_space<vmem>> -> memref<128x32xf32, #tpu.memory_space<vmem>>
    %dma_start3A_599 = arith.constant 0 : i32
    %dma_start3A_600 = tpu.memref_slice %arg5[%dma_start3A_592, %dma_start3A_593, %dma_start3A_599] : memref<3x8x128xi32, #tpu.memory_space<vmem>> -> memref<1x1x128xi32, #tpu.memory_space<vmem>>
    %dma_start3A_601 = tpu.memref_squeeze %dma_start3A_600 : memref<1x1x128xi32, #tpu.memory_space<vmem>> -> memref<128xi32, #tpu.memory_space<vmem>>
    %dma_start3A_602 = arith.constant 0 : i32
    %dma_start3A_603 = arith.constant 0 : i32
    %dma_start3A_604 = tpu.memref_slice %arg3[%dma_start3A_602, %dma_start3A_603] : memref<1000000x32xf32, #tpu.memory_space<hbm>> -> memref<1000000x32xf32, #tpu.memory_space<hbm>>
    tpu.enqueue_indirect_dma source(%dma_start3A_604 : memref<1000000x32xf32, #tpu.memory_space<hbm>>) target(%dma_start3A_598 : memref<128x32xf32, #tpu.memory_space<vmem>>) offsets(%dma_start3A_601 : memref<128xi32, #tpu.memory_space<vmem>>) semaphore(%arg7 : memref<!tpu.dma_semaphore, #tpu.memory_space<semaphore_mem>>)
    %dma_wait3A_605 = arith.constant 2 : i32
    %dma_wait3A_606 = arith.constant 0 : i32
    %dma_wait3A_607 = arith.constant 0 : i32
    %dma_wait3A_608 = tpu.memref_slice %arg6[%dma_wait3A_605, %dma_wait3A_606, %dma_wait3A_607] : memref<3x1024x32xf32, #tpu.memory_space<vmem>> -> memref<1x1024x32xf32, #tpu.memory_space<vmem>>
    %dma_wait3A_609 = tpu.memref_squeeze %dma_wait3A_608 : memref<1x1024x32xf32, #tpu.memory_space<vmem>> -> memref<1024x32xf32, #tpu.memory_space<vmem>>
    %dma_wait3A_610 = arith.constant 0 : i32
    %dma_wait3A_611 = arith.constant 0 : i32
    %dma_wait3A_612 = tpu.memref_slice %arg4[%dma_wait3A_610, %dma_wait3A_611] : memref<3276800x32xf32, #tpu.memory_space<hbm>> -> memref<1024x32xf32, #tpu.memory_space<hbm>>
    %dma_wait3A_613 = arith.constant 0 : i32
    %dma_wait3A_614 = arith.constant 0 : i32
    %dma_wait3A_615 = tpu.memref_slice %arg6[%dma_wait3A_605, %dma_wait3A_613, %dma_wait3A_614] : memref<3x1024x32xf32, #tpu.memory_space<vmem>> -> memref<1x1024x32xf32, #tpu.memory_space<vmem>>
    %dma_wait3A_616 = tpu.memref_squeeze %dma_wait3A_615 : memref<1x1024x32xf32, #tpu.memory_space<vmem>> -> memref<1024x32xf32, #tpu.memory_space<vmem>>
    %dma_wait3A_617 = arith.constant 0 : i32
    %dma_wait3A_618 = arith.constant 0 : i32
    %dma_wait3A_619 = tpu.memref_slice %arg4[%dma_wait3A_617, %dma_wait3A_618] : memref<3276800x32xf32, #tpu.memory_space<hbm>> -> memref<1024x32xf32, #tpu.memory_space<hbm>>
    tpu.wait_dma2 semaphore(%arg9 : memref<!tpu.dma_semaphore, #tpu.memory_space<semaphore_mem>>) src(%dma_wait3A_619 : memref<1024x32xf32, #tpu.memory_space<hbm>>) dst(%dma_wait3A_616 : memref<1024x32xf32, #tpu.memory_space<vmem>>)
    %add3A_620 = arith.constant 100352 : i32
    %add3A_621 = arith.addi %mul3A_2, %add3A_620 : i32
    %multiple_of3A_622 = tpu.assume_multiple %add3A_621, 1024 : i32
    %dma_start3A_623 = arith.constant 2 : i32
    %dma_start3A_624 = arith.constant 0 : i32
    %dma_start3A_625 = arith.constant 0 : i32
    %dma_start3A_626 = tpu.memref_slice %arg6[%dma_start3A_623, %dma_start3A_624, %dma_start3A_625] : memref<3x1024x32xf32, #tpu.memory_space<vmem>> -> memref<1x1024x32xf32, #tpu.memory_space<vmem>>
    %dma_start3A_627 = tpu.memref_squeeze %dma_start3A_626 : memref<1x1024x32xf32, #tpu.memory_space<vmem>> -> memref<1024x32xf32, #tpu.memory_space<vmem>>
    %dma_start3A_628 = arith.constant 0 : i32
    %dma_start3A_629 = tpu.memref_slice %arg4[%multiple_of3A_622, %dma_start3A_628] : memref<3276800x32xf32, #tpu.memory_space<hbm>> -> memref<1024x32xf32, #tpu.memory_space<hbm>>
    %dma_start3A_630 = arith.constant 0 : i32
    %dma_start3A_631 = tpu.memref_slice %arg4[%multiple_of3A_622, %dma_start3A_630] : memref<3276800x32xf32, #tpu.memory_space<hbm>> -> memref<1024x32xf32, #tpu.memory_space<hbm>>
    %dma_start3A_632 = arith.constant 0 : i32
    %dma_start3A_633 = arith.constant 0 : i32
    %dma_start3A_634 = tpu.memref_slice %arg6[%dma_start3A_623, %dma_start3A_632, %dma_start3A_633] : memref<3x1024x32xf32, #tpu.memory_space<vmem>> -> memref<1x1024x32xf32, #tpu.memory_space<vmem>>
    %dma_start3A_635 = tpu.memref_squeeze %dma_start3A_634 : memref<1x1024x32xf32, #tpu.memory_space<vmem>> -> memref<1024x32xf32, #tpu.memory_space<vmem>>
    tpu.enqueue_dma source(%dma_start3A_635 : memref<1024x32xf32, #tpu.memory_space<vmem>>) target(%dma_start3A_631 : memref<1024x32xf32, #tpu.memory_space<hbm>>) target_semaphore(%arg12 : memref<!tpu.dma_semaphore, #tpu.memory_space<semaphore_mem>>)
    %dma_wait3A_636 = arith.constant 0 : i32
    %dma_wait3A_637 = arith.constant 0 : i32
    %dma_wait3A_638 = arith.constant 0 : i32
    %dma_wait3A_639 = tpu.memref_slice %arg6[%dma_wait3A_636, %dma_wait3A_637, %dma_wait3A_638] : memref<3x1024x32xf32, #tpu.memory_space<vmem>> -> memref<1x1024x32xf32, #tpu.memory_space<vmem>>
    %dma_wait3A_640 = tpu.memref_squeeze %dma_wait3A_639 : memref<1x1024x32xf32, #tpu.memory_space<vmem>> -> memref<1024x32xf32, #tpu.memory_space<vmem>>
    %dma_wait3A_641 = arith.constant 0 : i32
    %dma_wait3A_642 = arith.constant 0 : i32
    %dma_wait3A_643 = tpu.memref_slice %arg4[%dma_wait3A_641, %dma_wait3A_642] : memref<3276800x32xf32, #tpu.memory_space<hbm>> -> memref<1024x32xf32, #tpu.memory_space<hbm>>
    %dma_wait3A_644 = arith.constant 0 : i32
    %dma_wait3A_645 = arith.constant 0 : i32
    %dma_wait3A_646 = tpu.memref_slice %arg6[%dma_wait3A_636, %dma_wait3A_644, %dma_wait3A_645] : memref<3x1024x32xf32, #tpu.memory_space<vmem>> -> memref<1x1024x32xf32, #tpu.memory_space<vmem>>
    %dma_wait3A_647 = tpu.memref_squeeze %dma_wait3A_646 : memref<1x1024x32xf32, #tpu.memory_space<vmem>> -> memref<1024x32xf32, #tpu.memory_space<vmem>>
    %dma_wait3A_648 = arith.constant 0 : i32
    %dma_wait3A_649 = arith.constant 0 : i32
    %dma_wait3A_650 = tpu.memref_slice %arg4[%dma_wait3A_648, %dma_wait3A_649] : memref<3276800x32xf32, #tpu.memory_space<hbm>> -> memref<1024x32xf32, #tpu.memory_space<hbm>>
    tpu.wait_dma2 semaphore(%arg7 : memref<!tpu.dma_semaphore, #tpu.memory_space<semaphore_mem>>) src(%dma_wait3A_650 : memref<1024x32xf32, #tpu.memory_space<hbm>>) dst(%dma_wait3A_647 : memref<1024x32xf32, #tpu.memory_space<vmem>>)
    %add3A_651 = arith.constant 101376 : i32
    %add3A_652 = arith.addi %mul3A_2, %add3A_651 : i32
    %multiple_of3A_653 = tpu.assume_multiple %add3A_652, 1024 : i32
    %dma_start3A_654 = arith.constant 0 : i32
    %dma_start3A_655 = arith.constant 0 : i32
    %dma_start3A_656 = arith.constant 0 : i32
    %dma_start3A_657 = tpu.memref_slice %arg6[%dma_start3A_654, %dma_start3A_655, %dma_start3A_656] : memref<3x1024x32xf32, #tpu.memory_space<vmem>> -> memref<1x1024x32xf32, #tpu.memory_space<vmem>>
    %dma_start3A_658 = tpu.memref_squeeze %dma_start3A_657 : memref<1x1024x32xf32, #tpu.memory_space<vmem>> -> memref<1024x32xf32, #tpu.memory_space<vmem>>
    %dma_start3A_659 = arith.constant 0 : i32
    %dma_start3A_660 = tpu.memref_slice %arg4[%multiple_of3A_653, %dma_start3A_659] : memref<3276800x32xf32, #tpu.memory_space<hbm>> -> memref<1024x32xf32, #tpu.memory_space<hbm>>
    %dma_start3A_661 = arith.constant 0 : i32
    %dma_start3A_662 = tpu.memref_slice %arg4[%multiple_of3A_653, %dma_start3A_661] : memref<3276800x32xf32, #tpu.memory_space<hbm>> -> memref<1024x32xf32, #tpu.memory_space<hbm>>
    %dma_start3A_663 = arith.constant 0 : i32
    %dma_start3A_664 = arith.constant 0 : i32
    %dma_start3A_665 = tpu.memref_slice %arg6[%dma_start3A_654, %dma_start3A_663, %dma_start3A_664] : memref<3x1024x32xf32, #tpu.memory_space<vmem>> -> memref<1x1024x32xf32, #tpu.memory_space<vmem>>
    %dma_start3A_666 = tpu.memref_squeeze %dma_start3A_665 : memref<1x1024x32xf32, #tpu.memory_space<vmem>> -> memref<1024x32xf32, #tpu.memory_space<vmem>>
    tpu.enqueue_dma source(%dma_start3A_666 : memref<1024x32xf32, #tpu.memory_space<vmem>>) target(%dma_start3A_662 : memref<1024x32xf32, #tpu.memory_space<hbm>>) target_semaphore(%arg10 : memref<!tpu.dma_semaphore, #tpu.memory_space<semaphore_mem>>)
    %dma_wait3A_667 = arith.constant 0 : i32
    %dma_wait3A_668 = arith.constant 0 : i32
    %dma_wait3A_669 = arith.constant 0 : i32
    %dma_wait3A_670 = tpu.memref_slice %arg6[%dma_wait3A_667, %dma_wait3A_668, %dma_wait3A_669] : memref<3x1024x32xf32, #tpu.memory_space<vmem>> -> memref<1x1024x32xf32, #tpu.memory_space<vmem>>
    %dma_wait3A_671 = tpu.memref_squeeze %dma_wait3A_670 : memref<1x1024x32xf32, #tpu.memory_space<vmem>> -> memref<1024x32xf32, #tpu.memory_space<vmem>>
    %dma_wait3A_672 = arith.constant 0 : i32
    %dma_wait3A_673 = arith.constant 0 : i32
    %dma_wait3A_674 = tpu.memref_slice %arg4[%dma_wait3A_672, %dma_wait3A_673] : memref<3276800x32xf32, #tpu.memory_space<hbm>> -> memref<1024x32xf32, #tpu.memory_space<hbm>>
    %dma_wait3A_675 = arith.constant 0 : i32
    %dma_wait3A_676 = arith.constant 0 : i32
    %dma_wait3A_677 = tpu.memref_slice %arg6[%dma_wait3A_667, %dma_wait3A_675, %dma_wait3A_676] : memref<3x1024x32xf32, #tpu.memory_space<vmem>> -> memref<1x1024x32xf32, #tpu.memory_space<vmem>>
    %dma_wait3A_678 = tpu.memref_squeeze %dma_wait3A_677 : memref<1x1024x32xf32, #tpu.memory_space<vmem>> -> memref<1024x32xf32, #tpu.memory_space<vmem>>
    %dma_wait3A_679 = arith.constant 0 : i32
    %dma_wait3A_680 = arith.constant 0 : i32
    %dma_wait3A_681 = tpu.memref_slice %arg4[%dma_wait3A_679, %dma_wait3A_680] : memref<3276800x32xf32, #tpu.memory_space<hbm>> -> memref<1024x32xf32, #tpu.memory_space<hbm>>
    tpu.wait_dma2 semaphore(%arg10 : memref<!tpu.dma_semaphore, #tpu.memory_space<semaphore_mem>>) src(%dma_wait3A_681 : memref<1024x32xf32, #tpu.memory_space<hbm>>) dst(%dma_wait3A_678 : memref<1024x32xf32, #tpu.memory_space<vmem>>)
    %dma_wait3A_682 = arith.constant 1 : i32
    %dma_wait3A_683 = arith.constant 0 : i32
    %dma_wait3A_684 = arith.constant 0 : i32
    %dma_wait3A_685 = tpu.memref_slice %arg6[%dma_wait3A_682, %dma_wait3A_683, %dma_wait3A_684] : memref<3x1024x32xf32, #tpu.memory_space<vmem>> -> memref<1x1024x32xf32, #tpu.memory_space<vmem>>
    %dma_wait3A_686 = tpu.memref_squeeze %dma_wait3A_685 : memref<1x1024x32xf32, #tpu.memory_space<vmem>> -> memref<1024x32xf32, #tpu.memory_space<vmem>>
    %dma_wait3A_687 = arith.constant 0 : i32
    %dma_wait3A_688 = arith.constant 0 : i32
    %dma_wait3A_689 = tpu.memref_slice %arg4[%dma_wait3A_687, %dma_wait3A_688] : memref<3276800x32xf32, #tpu.memory_space<hbm>> -> memref<1024x32xf32, #tpu.memory_space<hbm>>
    %dma_wait3A_690 = arith.constant 0 : i32
    %dma_wait3A_691 = arith.constant 0 : i32
    %dma_wait3A_692 = tpu.memref_slice %arg6[%dma_wait3A_682, %dma_wait3A_690, %dma_wait3A_691] : memref<3x1024x32xf32, #tpu.memory_space<vmem>> -> memref<1x1024x32xf32, #tpu.memory_space<vmem>>
    %dma_wait3A_693 = tpu.memref_squeeze %dma_wait3A_692 : memref<1x1024x32xf32, #tpu.memory_space<vmem>> -> memref<1024x32xf32, #tpu.memory_space<vmem>>
    %dma_wait3A_694 = arith.constant 0 : i32
    %dma_wait3A_695 = arith.constant 0 : i32
    %dma_wait3A_696 = tpu.memref_slice %arg4[%dma_wait3A_694, %dma_wait3A_695] : memref<3276800x32xf32, #tpu.memory_space<hbm>> -> memref<1024x32xf32, #tpu.memory_space<hbm>>
    tpu.wait_dma2 semaphore(%arg11 : memref<!tpu.dma_semaphore, #tpu.memory_space<semaphore_mem>>) src(%dma_wait3A_696 : memref<1024x32xf32, #tpu.memory_space<hbm>>) dst(%dma_wait3A_693 : memref<1024x32xf32, #tpu.memory_space<vmem>>)
    %dma_wait3A_697 = arith.constant 2 : i32
    %dma_wait3A_698 = arith.constant 0 : i32
    %dma_wait3A_699 = arith.constant 0 : i32
    %dma_wait3A_700 = tpu.memref_slice %arg6[%dma_wait3A_697, %dma_wait3A_698, %dma_wait3A_699] : memref<3x1024x32xf32, #tpu.memory_space<vmem>> -> memref<1x1024x32xf32, #tpu.memory_space<vmem>>
    %dma_wait3A_701 = tpu.memref_squeeze %dma_wait3A_700 : memref<1x1024x32xf32, #tpu.memory_space<vmem>> -> memref<1024x32xf32, #tpu.memory_space<vmem>>
    %dma_wait3A_702 = arith.constant 0 : i32
    %dma_wait3A_703 = arith.constant 0 : i32
    %dma_wait3A_704 = tpu.memref_slice %arg4[%dma_wait3A_702, %dma_wait3A_703] : memref<3276800x32xf32, #tpu.memory_space<hbm>> -> memref<1024x32xf32, #tpu.memory_space<hbm>>
    %dma_wait3A_705 = arith.constant 0 : i32
    %dma_wait3A_706 = arith.constant 0 : i32
    %dma_wait3A_707 = tpu.memref_slice %arg6[%dma_wait3A_697, %dma_wait3A_705, %dma_wait3A_706] : memref<3x1024x32xf32, #tpu.memory_space<vmem>> -> memref<1x1024x32xf32, #tpu.memory_space<vmem>>
    %dma_wait3A_708 = tpu.memref_squeeze %dma_wait3A_707 : memref<1x1024x32xf32, #tpu.memory_space<vmem>> -> memref<1024x32xf32, #tpu.memory_space<vmem>>
    %dma_wait3A_709 = arith.constant 0 : i32
    %dma_wait3A_710 = arith.constant 0 : i32
    %dma_wait3A_711 = tpu.memref_slice %arg4[%dma_wait3A_709, %dma_wait3A_710] : memref<3276800x32xf32, #tpu.memory_space<hbm>> -> memref<1024x32xf32, #tpu.memory_space<hbm>>
    tpu.wait_dma2 semaphore(%arg12 : memref<!tpu.dma_semaphore, #tpu.memory_space<semaphore_mem>>) src(%dma_wait3A_711 : memref<1024x32xf32, #tpu.memory_space<hbm>>) dst(%dma_wait3A_708 : memref<1024x32xf32, #tpu.memory_space<vmem>>)
    return
  }
}

module attributes {stable_mosaic.version = 14 : i64} {
  func.func @body(%arg0: i32, %arg1: memref<12800x128xf32, #tpu.memory_space<vmem>>, %arg2: memref<50x128x256xf32, #tpu.memory_space<vmem>>) attributes {dimension_semantics = [#tpu.dimension_semantics<arbitrary>], iteration_bounds = array<i64: 64>, scalar_prefetch = 0 : i64, scratch_operands = 0 : i64, tpu.core_type = #tpu.core_type<tc>, window_params = [{transform_indices = @transform_0, window_bounds = array<i64: 12800, 128>}, {transform_indices = @transform_1, window_bounds = array<i64: 50, 128, 256>}]} {
    %get3A = arith.constant 0 : index
    %get3A_0 = arith.constant 0 : index
    %get3A_1 = vector.load %arg1[%get3A, %get3A_0] : memref<12800x128xf32, #tpu.memory_space<vmem>>, vector<12800x128xf32>
    %reshape3A = vector.shape_cast %get3A_1 : vector<12800x128xf32> to vector<256x50x128xf32>
    %transpose3A = tpu.transpose %reshape3A, [1, 0, 2] : vector<256x50x128xf32> -> vector<50x256x128xf32>
    %transpose3A_2 = tpu.transpose %transpose3A, [0, 2, 1] : vector<50x256x128xf32> -> vector<50x128x256xf32>
    %swap3A = arith.constant 0 : index
    %swap3A_3 = arith.constant 0 : index
    %swap3A_4 = arith.constant 0 : index
    %swap3A_5 = vector.load %arg2[%swap3A, %swap3A_3, %swap3A_4] : memref<50x128x256xf32, #tpu.memory_space<vmem>>, vector<50x128x256xf32>
    tpu.vector_store %arg2[%swap3A, %swap3A_3, %swap3A_4], %transpose3A_2 {strides = array<i32>} : memref<50x128x256xf32, #tpu.memory_space<vmem>>, vector<50x128x256xf32>,
    return
  }
  func.func @transform_0(%arg0: i32) -> (i32, i32) {
    %c0_i32 = arith.constant 0 : i32
    %c0_i32_0 = arith.constant 0 : i32
    return %arg0, %c0_i32 : i32, i32
  }
  func.func @transform_1(%arg0: i32) -> (i32, i32, i32) {
    %c0_i32 = arith.constant 0 : i32
    %c0_i32_0 = arith.constant 0 : i32
    %c0_i32_1 = arith.constant 0 : i32
    return %c0_i32, %c0_i32_0, %arg0 : i32, i32, i32
  }
}

</mosaic_0001>

<sc_bundles>
// kernel: kernel.4.cloned.1.call-start
scs
__scs_entry_jumppad:
0x0: {  	(pc) =	sbr.rel $0x88, $3  }
0x1: {  	(tag) =	ssettag $0x0;
	lr =	simm.s32 $0x1  }
0x2: {  	[smem:$0x3F9F] =	sst lr;
	_ =	strace $0xD0000000  }
0x3: {  	_ = 	snop  }
0x4: {  	_ = 	snop  }
0x5: {  	_ = 	snop  }
0x6: {  	_ = 	snop  }
0x7: {  	_ = 	snop  }
__scs_overlays_trampoline_lowered:
0x8: {  	[smem:$0x3FAE] =	sst s0  }
0x9: {  	[smem:$0x3FAF] =	sst s1  }
0xa: {  	[smem:$0x3FB0] =	sst s2  }
0xb: {  	[smem:$0x3FB1] =	sst s3  }
0xc: {  	[smem:$0x3FB2] =	sst s4  }
0xd: {  	[smem:$0x3FB3] =	sst s5  }
0xe: {  	[smem:$0x3FB4] =	sst s6  }
0xf: {  	[smem:$0x3FB5] =	sst s7  }
0x10: {  	[smem:$0x3FB6] =	sst s8  }
0x11: {  	[smem:$0x3FB7] =	sst s9;
	s0 =	simm.s32 @!p0 $0x0  }
0x12: {  	s1 =	sld [smem:$0x3F9D];
	s0 =	simm.s32 @p0 $0x1  }
0x13: {  	[smem:$0x3FB8] =	sst s0;
	s0 =	simm.s32 @!p1 $0x0  }
0x14: {  	s2 =	sld [smem:$0x3F9C];
	s0 =	simm.s32 @p1 $0x1  }
0x15: {  	[smem:$0x3FB9] =	sst s0;
	s0 =	simm.s32 @!p2 $0x0  }
0x16: {  	s3 =	sld [smem:$0x3FDB];
	s0 =	simm.s32 @p2 $0x1  }
0x17: {  	s4 =	simm.s32 $0x1BF5;
	[smem:$0x3FBB] =	sst s0  }
0x18: {  	s0 =	sld [smem:$0x3F9E];
	_ =	swait.ge [sflag:s4], $0x0  }
0x19: {  	s7 =	sld [smem:$0x3F9F]  }
0x1a: {  	s8 =	sadd.s32 $0xFFFFE003, lr  }
0x1b: {  	s9 =	sadd.s32 $0xFFFFFEF7, lr;
	s5 =	simm.s32 $0xFFFFFFFF;
	p2 =	slt.u32 s8, $0xFFFFF086  }
0x1c: {  	p1 =	slt.u32 s9, $0xF7A;
	s5 =	simm.s32 @!p2 $0x0  }
0x1d: {  	s5 =	simm.s32 @p1 $0x1;
	p0 =	seq.s32 s7, s2  }
0x1e: {  	s7 =	smul.u32 @!p0 $0xF7A, s2;
	p2 =	seq.s32 @!p0 s5, $0x0  }
0x1f: {  	s9 =	smul.u32 $0xF7A, s1;
	s8 =	simm.s32 @!p0 $0x1BF5;
	p2 =	por !p2, p0  }
0x20: {  	[sflag:s8] =	ssyncset.s32 @!p0 $0xFFFFF086;
	s6 =	sadd.s32 @!p0 s3, s7;
	s7 =	simm.s32 @!p0 $0x108  }
0x21: {  	s3 =	sadd.s32 s3, s9;
	s6 =	sadd.s32 @!p0 $0x88, s6;
	s7 =	simm.s32 @p2 $0x1082  }
0x22: {  	[simem:s7], [sflag:s8] =	dma.local @!p0 [hbm:s6], $0xF7A  }
0x23: {  	s9 =	sor.u32 $0xD0000000, s2;
	s6 =	simm.s32 $0x108;
	_ =	swait.ge @!p0 [sflag:s8], $0x0  }
0x24: {  	s3 =	sadd.s32 $0x88, s3;
	s6 =	simm.s32 @!p1 $0x1082;
	[sflag:s4] =	ssyncset.s32 $0xFFFFF086  }
0x25: {  	[simem:s6], [sflag:s4] =	dma.local [hbm:s3], $0xF7A  }
0x26: {  	[smem:$0x3F9F] =	sst s1;
	(tag) =	ssettag s2;
	_ =	strace s9  }
0x27: {  	s1 =	sld [smem:$0x3FAF]  }
0x28: {  	s2 =	sld [smem:$0x3FB0]  }
0x29: {  	s4 =	sld [smem:$0x3FB2]  }
0x2a: {  	p0 =	seq.s32 s5, $0x0;
	s5 =	sld [smem:$0x3FB3]  }
0x2b: {  	s6 =	sld [smem:$0x3FB4]  }
0x2c: {  	s7 =	sld [smem:$0x3FB5]  }
0x2d: {  	s3 =	simm.s32 $0x108;
	s8 =	sld [smem:$0x3FB6]  }
0x2e: {  	s3 =	simm.s32 @!p0 $0x1082;
	s9 =	sld [smem:$0x3FB7]  }
0x2f: {  	lr =	sadd.s32 s0, s3;
	s0 =	sld [smem:$0x3FAE]  }
0x30: {  	s3 =	sld [smem:$0x3FB1]  }
0x31: {  	[smem:$0x3FBA] =	sst s10  }
0x32: {  	s10 =	sld [smem:$0x3FB8];
	_ =	sdelay $0x3  }
0x33: {  	p0 =	seq.s32 s10, $0x1;
	s10 =	sld [smem:$0x3FBA];
	_ =	sdelay $0x3  }
0x34: {  	[smem:$0x3FBA] =	sst s10  }
0x35: {  	s10 =	sld [smem:$0x3FB9];
	_ =	sdelay $0x3  }
0x36: {  	p1 =	seq.s32 s10, $0x1;
	s10 =	sld [smem:$0x3FBA];
	_ =	sdelay $0x3  }
0x37: {  	[smem:$0x3FBA] =	sst s10  }
0x38: {  	s10 =	sld [smem:$0x3FBB]  }
0x39: {  	_ = 	snop;
	(pc) =	sbr.ind lr, $3  }
0x3a: {  	_ = 	snop  }
0x3b: {  	_ = 	snop  }
0x3c: {  	p2 =	seq.s32 s10, $0x1;
	s10 =	sld [smem:$0x3FBA]  }
0x3d: {  	_ =	shalt  }
0x3e: {  	_ =	shalt  }
0x3f: {  	_ =	shalt  }
0x40: {  	_ =	shalt  }
0x41: {  	_ =	shalt  }
0x42: {  	_ =	shalt  }
0x43: {  	_ =	shalt  }
0x44: {  	_ =	shalt  }
0x45: {  	_ =	shalt  }
0x46: {  	_ =	shalt  }
0x47: {  	_ =	shalt  }
0x48: {  	_ =	shalt  }
0x49: {  	_ =	shalt  }
0x4a: {  	_ =	shalt  }
0x4b: {  	_ =	shalt  }
0x4c: {  	_ =	shalt  }
0x4d: {  	_ =	shalt  }
0x4e: {  	_ =	shalt  }
0x4f: {  	_ =	shalt  }
0x50: {  	_ =	shalt  }
0x51: {  	_ =	shalt  }
0x52: {  	_ =	shalt  }
0x53: {  	_ =	shalt  }
0x54: {  	_ =	shalt  }
0x55: {  	_ =	shalt  }
0x56: {  	_ =	shalt  }
0x57: {  	_ =	shalt  }
0x58: {  	_ =	shalt  }
0x59: {  	_ =	shalt  }
0x5a: {  	_ =	shalt  }
0x5b: {  	_ =	shalt  }
0x5c: {  	_ =	shalt  }
0x5d: {  	_ =	shalt  }
0x5e: {  	_ =	shalt  }
0x5f: {  	_ =	shalt  }
0x60: {  	_ =	shalt  }
0x61: {  	_ =	shalt  }
0x62: {  	_ =	shalt  }
0x63: {  	_ =	shalt  }
0x64: {  	_ =	shalt  }
0x65: {  	_ =	shalt  }
0x66: {  	_ =	shalt  }
0x67: {  	_ =	shalt  }
0x68: {  	_ =	shalt  }
0x69: {  	_ =	shalt  }
0x6a: {  	_ =	shalt  }
0x6b: {  	_ =	shalt  }
0x6c: {  	_ =	shalt  }
0x6d: {  	_ =	shalt  }
0x6e: {  	_ =	shalt  }
0x6f: {  	_ =	shalt  }
0x70: {  	_ =	shalt  }
0x71: {  	_ =	shalt  }
0x72: {  	_ =	shalt  }
0x73: {  	_ =	shalt  }
0x74: {  	_ =	shalt  }
0x75: {  	_ =	shalt  }
0x76: {  	_ =	shalt  }
0x77: {  	_ =	shalt  }
0x78: {  	_ =	shalt  }
0x79: {  	_ =	shalt  }
0x7a: {  	_ =	shalt  }
0x7b: {  	_ =	shalt  }
0x7c: {  	_ =	shalt  }
0x7d: {  	_ =	shalt  }
0x7e: {  	_ =	shalt  }
0x7f: {  	_ =	shalt  }
0x80: {  	_ =	shalt  }
0x81: {  	_ =	shalt  }
0x82: {  	_ =	shalt  }
0x83: {  	_ =	shalt  }
0x84: {  	_ =	shalt  }
0x85: {  	_ =	shalt  }
0x86: {  	_ =	shalt  }
0x87: {  	_ =	shalt  }
.Lfunc_end0:
.L_simem_size_0:
called_computation_lowered:
.L_overlay_start_0:
0x88: {  	s2 =	sld [smem:$0x3FD9]  }
0x89: {  	s3 =	sld [smem:$0x3FFE];
	_ =	sdelay $0x1  }
0x8a: {  	s1 =	srdreg.scid  }
0x8b: {  	s0 =	sand.u32 $0x1, s1  }
0x8c: {  	s17 =	sshll.u32 s0, $0xA;
	s2 =	sadd.s32 s3, s2  }
0x8d: {  	s2 =	sadd.s32 s2, s17  }
0x8e: {  	[smem:$0x3FC6] =	sst s2  }
0x8f: {  	_ = 	snop  }
0x90: {  	s2 =	sld [smem:$0x3FD0];
	(tm) =	ssettm $0x1  }
0x91: {  	s18 =	sld [smem:$0x3FFB];
	_ =	sdelay $0x3  }
0x92: {  	_ =	strace s18  }
0x93: {  	s3 =	sld [smem:$0x3FFC];
	_ =	sdelay $0x3  }
0x94: {  	_ =	strace s3  }
0x95: {  	s3 =	sld [smem:$0x3FFD];
	_ =	sdelay $0x3  }
0x96: {  	_ =	strace s3  }
0x97: {  	_ =	strace $0x8FFFFFFF  }
0x98: {  	s19 =	sld [smem:$0x3FDB];
	_ =	sdelay $0x1  }
0x99: {  	s4 =	simm.s32 $_scs_section_size  }
0x9a: {  	s5 =	simm.s32 $_size__tile_overlayer_lowered;
	s6 =	simm.s32 $_tile_overlayer_lowered  }
0x9b: {  	s22 =	simm.s32 $0x1BFF;
	s21 =	sshll.u32 s6, $0x1;
	s3 =	sadd.s32 s4, s19  }
0x9c: {  	s7 =	simm.s32 $0x0;
	s20 =	sshll.u32 s5, $0x1;
	s5 =	sadd.s32 s21, s3  }
0x9d: {  	[timem:s7], [sflag:s22] =	dma.local [hbm:s5], s20  }
0x9e: {  	_ =	swait.ge [sflag:s22], s20  }
0x9f: {  	s4 =	ssub.s32 $0x0, s20;
	[sflag:s22] =	ssyncset.done $0x0  }
0xa0: {  	[sflag:s22] =	ssyncadd.s32 s4;
	_ =	sdelay $0x1  }
0xa1: {  	s23 =	simm.s32 $0x1B8B  }
0xa2: {  	_ =	swait.ge [sflag:s23], $0x1  }
0xa3: {  	[sflag:s23] =	ssyncset.done $0x0  }
0xa4: {  	s25 =	simm.s32 $0x1B8E;
	s24 =	sld [smem:$0x3FFE];
	[sflag:s23] =	ssyncadd.s32 $0xFFFFFFFF  }
0xa5: {  	s26 =	simm.s32 $execute0_lowered;
	[smem:$0x3FD2] =	sst s25  }
0xa6: {  	s5 =	sshll.u32 s26, $0x1;
	_ =	strace $0x80000046;
	[dreg:$0x1] =	wrdreg $0xFFFFFFFF  }
0xa7: {  	s28 =	simm.s32 $_size_execute0_lowered;
	s3 =	sadd.s32 s3, s5;
	[dreg:$0x0] =	wrdreg $0x0  }
0xa8: {  	s5 =	sshll.u32 s28, $0x1;
	[dreg:$0x2] =	wrdreg s3  }
0xa9: {  	[dreg:$0x3] =	wrdreg s5  }
0xaa: {  	[dreg:$0x4] =	wrdreg $0xC0  }
0xab: {  	_ =	task [dreg:s7], $0x5FFFF  }
0xac: {  	[dreg:$0x1] =	wrdreg $0xFFFFFFFF  }
0xad: {  	[dreg:$0x0] =	wrdreg $0x60  }
0xae: {  	[dreg:$0x2] =	wrdreg s24  }
0xaf: {  	[dreg:$0x3] =	wrdreg s2  }
0xb0: {  	[dreg:$0x4] =	wrdreg $0x9  }
0xb1: {  	_ =	task.clear_ibuf [dreg:s7], $0x5FFFF;
	_ =	strace $0x90000046  }
0xb2: {  	s29 =	simm.s32 $0x9;
	_ =	strace $0x80000048  }
0xb3: {  	_ =	swait.ge [sflag:s29], $0x1  }
0xb4: {  	[sflag:s29] =	ssyncadd.s32 $0xFFFFFFFF  }
0xb5: {  	_ =	strace $0x90000048  }
0xb6: {  	_ =	sfence  }
0xb7: {  	s30 =	sld [smem:$0x0];
	_ =	sdelay $0x2  }
0xb8: {  	s31 =	sshll.u32 s1, $0xD;
	s1 =	sshrl.u32 s1, $0x2  }
0xb9: {  	s3 =	sand.u32 $0x4000, s31;
	s1 =	sadd.s32 s1, s30  }
0xba: {  	s0 =	sor.u32 s3, s0;
	s1 =	sshll.u32 s1, $0x11  }
0xbb: {  	s0 =	sor.u32 s1, s0  }
0xbc: {  	s0 =	sadd.s32 $0x8F2B, s0  }
0xbd: {  	[sflag:s0] =	ssyncadd.remote.s32 $0x1  }
0xbe: {  	_ =	sfence.sel $0xFFFF  }
0xbf: {  	[dreg:$0x0] =	wrdreg $0xFFFFFFFF;
	(pc) =	sbr.abs _section_cstart, $3  }
0xc0: {  	[dreg:$0x1] =	wrdreg $0xFFFFFFFF  }
0xc1: {  	_ =	task.clear_ibuf [dreg:s7], $0x2FFFF;
	_ =	strace $0x9FFFFFFF  }
0xc2: {  	(tm) =	ssettm $0x7FFFFFFF  }
0xc3: {  	_ =	shalt  }
tec
execute0_lowered:
.L_overlay_start_1:
0x0: {  	(tag) =	ssettag $0x1  }
0x1: {  	s0 =	rddreg [dreg:$0x0]  }
0x2: {  	s1 =	srdreg.scid;
	s12 =	stileid.u32  }
0x3: {  	s2 =	rddreg [dreg:$0x1];
	s14 =	smul.u32 $0x32000, s12  }
0x4: {  	s3 =	simm.s32 $0x0;
	s1 =	sand.u32 $0x1, s1;
	s20 =	smul.u32 $0xC8000, s12  }
0x5: {  	s31 =	simm.s32 $0x580;
	s4 =	sshll.u32 s12, $0x1;
	s16 =	smul.u32 $0x19000, s1  }
0x6: {  	s4 =	sor.u32 s1, s4;
	s5 =	ssub.s32 $0x2, s1;
	s1 =	smul.u32 $0x64000, s1  }
0x7: {  	[smem:$0x7FF] =	sst s3;
	s7 =	sadd.s32 $0x400, s0;
	s6 =	smul.u32 $0x19000, s4  }
0x8: {  	s0 =	sadd.s32 $0x64400, s0;
	s12 =	simm.s32 $0x2;
	s11 =	smul.u32 $0x64000, s4  }
0x9: {  	_ =	strace $0x80000047;
	s8 =	sshrl.u32 s5, $0x1;
	s4 =	smul.u32 $0x320000, s4  }
0xa: {  	s22 =	sadd.s32 s20, s0;
	s5 =	ssub.s32 s5, s8;
	s19 =	sadd.s32 s16, s14  }
0xb: {  	s1 =	sadd.s32 s1, s22;
	s16 =	simm.s32 $0x7;
	s22 =	simm.s32 $0x1  }
0xc: {  	s14 =	simm.s32 $0x3;
	s30 =	sor.u32 $0x400, s6;
	s9 =	sshrl.u32 s6, $0x3  }
0xd: {  	s13 =	sadd.s32 s0, s11;
	s6 =	sadd.s32 $0x18C00, s6;
	s4 =	sshrl.u32 s4, $0x3  }
0xe: {  	s21 =	sadd.s32 $0x1400, s19;
	s5 =	smax.u32 s5, $0x1;
	s23 =	sadd.s32 $0x1000, s19  }
0xf: {  	s1 =	sadd.s32 $0x4000, s1;
	s25 =	sshll.u32 s19, $0x2;
	s26 =	sor.u32 $0xC00, s19  }
0x10: {  	s11 =	simm.s32 $0xAC00;
	s19 =	simm.s32 $0x6;
	s10 =	sshrl.u32 s30, $0x3  }
0x11: {  	s9 =	sadd.s32 s7, s9;
	[dreg:$0x8] =	wrdreg s13;
	s8 =	sshll.u32 s30, $0x2  }
0x12: {  	s15 =	sshrl.u32 s6, $0x3;
	s4 =	sadd.s32 s0, s4;
	[dreg:$0xe] =	wrdreg s5  }
0x13: {  	s18 =	sshll.u32 s6, $0x2;
	[dreg:$0xf] =	wrdreg s1;
	s24 =	sshrl.u32 s23, $0x3  }
0x14: {  	s28 =	sadd.s32 s25, s0;
	s29 =	sshrl.u32 s26, $0x3;
	s30 =	sshll.u32 s26, $0x2  }
0x15: {  	s5 =	simm.s32 $0x8C00;
	s10 =	sadd.s32 s7, s10;
	[dreg:$0x6] =	wrdreg s9  }
0x16: {  	s23 =	simm.s32 $0x800;
	s9 =	sadd.s32 $0x100, s9;
	[dreg:$0x7] =	wrdreg s10  }
0x17: {  	s13 =	simm.s32 $0x4;
	s8 =	sadd.s32 s0, s8;
	[dreg:$0x9] =	wrdreg s9  }
0x18: {  	s17 =	sadd.s32 s7, s15;
	s4 =	sadd.s32 $0x62000, s4;
	[dreg:$0xa] =	wrdreg s8  }
0x19: {  	s1 =	sadd.s32 s24, s7;
	s24 =	simm.s32 $0x10C00;
	[dreg:$0xb] =	wrdreg s17  }
0x1a: {  	s15 =	simm.s32 $0x5;
	[dreg:$0xc] =	wrdreg s4;
	s4 =	sadd.s32 s0, s18  }
0x1b: {  	[dreg:$0x4] =	wrdreg s1;
	s1 =	sadd.s32 $0x2000, s28;
	s0 =	sadd.s32 s30, s0  }
0x1c: {  	s17 =	simm.s32 $0x80;
	s18 =	simm.s32 $0xC00;
	[dreg:$0xd] =	wrdreg s4  }
0x1d: {  	s8 =	simm.s32 $0x9C00;
	s4 =	sshrl.u32 s21, $0x3;
	[dreg:$0x10] =	wrdreg s1  }
0x1e: {  	s10 =	simm.s32 $0x500;
	[dreg:$0x11] =	wrdreg s0;
	s4 =	sadd.s32 s4, s7  }
0x1f: {  	s0 =	simm.s32 $0x400;
	[dreg:$0x3] =	wrdreg s4;
	s4 =	sadd.s32 s29, s7  }
0x20: {  	s1 =	simm.s32 $0x0;
	s7 =	simm.s32 $0x480;
	[dreg:$0x5] =	wrdreg s4  }
.LBB2_1:
0x21: {  	[dreg:$0x12] =	wrdreg s1  }
0x22: {  	s20 =	rddreg [dreg:$0x6]  }
0x23: {  	[tilespmem:s3], [sflag:$0x7] =	stream.linear.gather [hbm4b:s20+s3], $0x400, $0x38;
	[tilespmem:$0x18C00] =	vst v63  }
0x24: {  	_ =	swait.ge [sflag:s16], $0x400  }
0x25: {  	[sflag:s16] =	ssyncset.done $0x0  }
0x26: {  	[sflag:s16] =	ssyncadd.s32 $0xFFFFFC00  }
0x27: {  	[tilespmem:s18], [sflag:$0x1] =	stream.indirect.gather [hbm4b:s2+s17], $0x20, s3, s17, $0xb8;
	[tilespmem:$0x18C00] =	vst v63  }
0x28: {  	s6 =	simm.s32 $0x1C00  }
0x29: {  	[tilespmem:s6], [sflag:$0x1] =	stream.indirect.gather [hbm4b:s2+s17], $0x20, s17, s17, $0xb8;
	[tilespmem:$0x18C00] =	vst v63  }
0x2a: {  	s4 =	simm.s32 $0x100;
	s26 =	simm.s32 $0x2C00  }
0x2b: {  	[tilespmem:s26], [sflag:$0x1] =	stream.indirect.gather [hbm4b:s2+s17], $0x20, s4, s17, $0xb8;
	[tilespmem:$0x18C00] =	vst v63  }
0x2c: {  	s9 =	simm.s32 $0x180;
	s29 =	simm.s32 $0x3C00  }
0x2d: {  	[tilespmem:s29], [sflag:$0x1] =	stream.indirect.gather [hbm4b:s2+s17], $0x20, s9, s17, $0xb8;
	[tilespmem:$0x18C00] =	vst v63  }
0x2e: {  	s30 =	simm.s32 $0x200;
	s21 =	simm.s32 $0x4C00  }
0x2f: {  	[tilespmem:s21], [sflag:$0x1] =	stream.indirect.gather [hbm4b:s2+s17], $0x20, s30, s17, $0xb8;
	[tilespmem:$0x18C00] =	vst v63  }
0x30: {  	s25 =	simm.s32 $0x5C00;
	s20 =	simm.s32 $0x280  }
0x31: {  	[tilespmem:s25], [sflag:$0x1] =	stream.indirect.gather [hbm4b:s2+s17], $0x20, s20, s17, $0xb8;
	[tilespmem:$0x18C00] =	vst v63  }
0x32: {  	s1 =	simm.s32 $0x6C00;
	s20 =	simm.s32 $0x300  }
0x33: {  	[tilespmem:s1], [sflag:$0x1] =	stream.indirect.gather [hbm4b:s2+s17], $0x20, s20, s17, $0xb8;
	[tilespmem:$0x18C00] =	vst v63  }
0x34: {  	s28 =	simm.s32 $0x7C00;
	s20 =	simm.s32 $0x380  }
0x35: {  	[tilespmem:s28], [sflag:$0x1] =	stream.indirect.gather [hbm4b:s2+s17], $0x20, s20, s17, $0xb8;
	[tilespmem:$0x18C00] =	vst v63  }
0x36: {  	s20 =	rddreg [dreg:$0x7]  }
0x37: {  	[tilespmem:s0], [sflag:$0x7] =	stream.linear.gather [hbm4b:s20+s3], $0x400, $0x38;
	[tilespmem:$0x18C00] =	vst v63  }
0x38: {  	_ =	swait.ge [sflag:s16], $0x400  }
0x39: {  	[sflag:s16] =	ssyncset.done $0x0  }
0x3a: {  	[sflag:s16] =	ssyncadd.s32 $0xFFFFFC00  }
0x3b: {  	[tilespmem:s5], [sflag:$0x2] =	stream.indirect.gather [hbm4b:s2+s17], $0x20, s0, s17, $0xb8;
	[tilespmem:$0x18C00] =	vst v63  }
0x3c: {  	_ = 	snop  }
0x3d: {  	[tilespmem:s8], [sflag:$0x2] =	stream.indirect.gather [hbm4b:s2+s17], $0x20, s7, s17, $0xb8;
	[tilespmem:$0x18C00] =	vst v63  }
0x3e: {  	_ = 	snop  }
0x3f: {  	[tilespmem:s11], [sflag:$0x2] =	stream.indirect.gather [hbm4b:s2+s17], $0x20, s10, s17, $0xb8;
	[tilespmem:$0x18C00] =	vst v63  }
0x40: {  	s20 =	simm.s32 $0xBC00  }
0x41: {  	[tilespmem:s20], [sflag:$0x2] =	stream.indirect.gather [hbm4b:s2+s17], $0x20, s31, s17, $0xb8;
	[tilespmem:$0x18C00] =	vst v63  }
0x42: {  	s8 =	simm.s32 $0x600;
	s10 =	simm.s32 $0xCC00  }
0x43: {  	[tilespmem:s10], [sflag:$0x2] =	stream.indirect.gather [hbm4b:s2+s17], $0x20, s8, s17, $0xb8;
	[tilespmem:$0x18C00] =	vst v63  }
0x44: {  	s11 =	simm.s32 $0x680;
	s20 =	simm.s32 $0xDC00  }
0x45: {  	[tilespmem:s20], [sflag:$0x2] =	stream.indirect.gather [hbm4b:s2+s17], $0x20, s11, s17, $0xb8;
	[tilespmem:$0x18C00] =	vst v63  }
0x46: {  	s8 =	simm.s32 $0x700;
	s10 =	simm.s32 $0xEC00  }
0x47: {  	[tilespmem:s10], [sflag:$0x2] =	stream.indirect.gather [hbm4b:s2+s17], $0x20, s8, s17, $0xb8;
	[tilespmem:$0x18C00] =	vst v63  }
0x48: {  	s11 =	simm.s32 $0x780;
	s20 =	simm.s32 $0xFC00  }
0x49: {  	[tilespmem:s20], [sflag:$0x2] =	stream.indirect.gather [hbm4b:s2+s17], $0x20, s11, s17, $0xb8;
	[tilespmem:$0x18C00] =	vst v63  }
0x4a: {  	_ =	swait.ge [sflag:s22], $0x8000  }
0x4b: {  	[sflag:s22] =	ssyncset.done $0x0  }
0x4c: {  	s10 =	rddreg [dreg:$0x8];
	[sflag:s22] =	ssyncadd.s32 $0xFFFF8000  }
0x4d: {  	[hbm4b:s10+s3] =	stream.linear.scatter [tilespmem:s18], [sflag:$0x4], $0x8000, $0x38;
	[tilespmem:$0x18C00] =	vst v63  }
0x4e: {  	s11 =	rddreg [dreg:$0x9]  }
0x4f: {  	[tilespmem:s23], [sflag:$0x7] =	stream.linear.gather [hbm4b:s11+s3], $0x400, $0x38;
	[tilespmem:$0x18C00] =	vst v63  }
0x50: {  	_ =	swait.ge [sflag:s16], $0x400  }
0x51: {  	[sflag:s16] =	ssyncset.done $0x0  }
0x52: {  	[sflag:s16] =	ssyncadd.s32 $0xFFFFFC00  }
0x53: {  	[tilespmem:s24], [sflag:$0x3] =	stream.indirect.gather [hbm4b:s2+s17], $0x20, s23, s17, $0xb8;
	[tilespmem:$0x18C00] =	vst v63  }
0x54: {  	s20 =	simm.s32 $0x11C00;
	s10 =	simm.s32 $0x880  }
0x55: {  	[tilespmem:s20], [sflag:$0x3] =	stream.indirect.gather [hbm4b:s2+s17], $0x20, s10, s17, $0xb8;
	[tilespmem:$0x18C00] =	vst v63  }
0x56: {  	s8 =	simm.s32 $0x12C00;
	s11 =	simm.s32 $0x900  }
0x57: {  	[tilespmem:s8], [sflag:$0x3] =	stream.indirect.gather [hbm4b:s2+s17], $0x20, s11, s17, $0xb8;
	[tilespmem:$0x18C00] =	vst v63  }
0x58: {  	s31 =	simm.s32 $0x980;
	s20 =	simm.s32 $0x13C00  }
0x59: {  	[tilespmem:s20], [sflag:$0x3] =	stream.indirect.gather [hbm4b:s2+s17], $0x20, s31, s17, $0xb8;
	[tilespmem:$0x18C00] =	vst v63  }
0x5a: {  	s8 =	simm.s32 $0xA00;
	s20 =	simm.s32 $0x14C00  }
0x5b: {  	[tilespmem:s20], [sflag:$0x3] =	stream.indirect.gather [hbm4b:s2+s17], $0x20, s8, s17, $0xb8;
	[tilespmem:$0x18C00] =	vst v63  }
0x5c: {  	s8 =	simm.s32 $0xA80;
	s20 =	simm.s32 $0x15C00  }
0x5d: {  	[tilespmem:s20], [sflag:$0x3] =	stream.indirect.gather [hbm4b:s2+s17], $0x20, s8, s17, $0xb8;
	[tilespmem:$0x18C00] =	vst v63  }
0x5e: {  	s8 =	simm.s32 $0xB00;
	s20 =	simm.s32 $0x16C00  }
0x5f: {  	[tilespmem:s20], [sflag:$0x3] =	stream.indirect.gather [hbm4b:s2+s17], $0x20, s8, s17, $0xb8;
	[tilespmem:$0x18C00] =	vst v63  }
0x60: {  	s8 =	simm.s32 $0xB80;
	s20 =	simm.s32 $0x17C00  }
0x61: {  	[tilespmem:s20], [sflag:$0x3] =	stream.indirect.gather [hbm4b:s2+s17], $0x20, s8, s17, $0xb8;
	[tilespmem:$0x18C00] =	vst v63  }
0x62: {  	_ =	swait.ge [sflag:s12], $0x8000  }
0x63: {  	[sflag:s12] =	ssyncset.done $0x0  }
0x64: {  	s7 =	rddreg [dreg:$0xa];
	[sflag:s12] =	ssyncadd.s32 $0xFFFF8000  }
0x65: {  	[hbm4b:s7+s3] =	stream.linear.scatter [tilespmem:s5], [sflag:$0x5], $0x8000, $0x38;
	[tilespmem:$0x18C00] =	vst v63  }
0x66: {  	_ =	swait.ge [sflag:s13], $0x8000  }
0x67: {  	s8 =	rddreg [dreg:$0x5];
	[sflag:s13] =	ssyncset.done $0x0  }
0x68: {  	[sflag:s13] =	ssyncadd.s32 $0xFFFF8000;
	s20 =	sadd.s32 $0x0, s8  }
0x69: {  	[tilespmem:s3], [sflag:$0x7] =	stream.linear.gather [hbm4b:s20+s3], $0x400, $0x38;
	[tilespmem:$0x18C00] =	vst v63  }
0x6a: {  	_ =	swait.ge [sflag:s16], $0x400  }
0x6b: {  	[sflag:s16] =	ssyncset.done $0x0  }
0x6c: {  	[sflag:s16] =	ssyncadd.s32 $0xFFFFFC00  }
0x6d: {  	[tilespmem:s18], [sflag:$0x1] =	stream.indirect.gather [hbm4b:s2+s17], $0x20, s3, s17, $0xb8;
	[tilespmem:$0x18C00] =	vst v63  }
0x6e: {  	_ = 	snop  }
0x6f: {  	[tilespmem:s6], [sflag:$0x1] =	stream.indirect.gather [hbm4b:s2+s17], $0x20, s17, s17, $0xb8;
	[tilespmem:$0x18C00] =	vst v63  }
0x70: {  	_ = 	snop  }
0x71: {  	[tilespmem:s26], [sflag:$0x1] =	stream.indirect.gather [hbm4b:s2+s17], $0x20, s4, s17, $0xb8;
	[tilespmem:$0x18C00] =	vst v63  }
0x72: {  	_ = 	snop  }
0x73: {  	[tilespmem:s29], [sflag:$0x1] =	stream.indirect.gather [hbm4b:s2+s17], $0x20, s9, s17, $0xb8;
	[tilespmem:$0x18C00] =	vst v63  }
0x74: {  	_ = 	snop  }
0x75: {  	[tilespmem:s21], [sflag:$0x1] =	stream.indirect.gather [hbm4b:s2+s17], $0x20, s30, s17, $0xb8;
	[tilespmem:$0x18C00] =	vst v63  }
0x76: {  	s26 =	simm.s32 $0x280  }
0x77: {  	[tilespmem:s25], [sflag:$0x1] =	stream.indirect.gather [hbm4b:s2+s17], $0x20, s26, s17, $0xb8;
	[tilespmem:$0x18C00] =	vst v63  }
0x78: {  	s29 =	simm.s32 $0x300  }
0x79: {  	[tilespmem:s1], [sflag:$0x1] =	stream.indirect.gather [hbm4b:s2+s17], $0x20, s29, s17, $0xb8;
	[tilespmem:$0x18C00] =	vst v63  }
0x7a: {  	s30 =	simm.s32 $0x380  }
0x7b: {  	[tilespmem:s28], [sflag:$0x1] =	stream.indirect.gather [hbm4b:s2+s17], $0x20, s30, s17, $0xb8;
	[tilespmem:$0x18C00] =	vst v63  }
0x7c: {  	_ =	swait.ge [sflag:s14], $0x8000  }
0x7d: {  	[sflag:s14] =	ssyncset.done $0x0  }
0x7e: {  	s26 =	rddreg [dreg:$0x10];
	[sflag:s14] =	ssyncadd.s32 $0xFFFF8000  }
0x7f: {  	[hbm4b:s26+s3] =	stream.linear.scatter [tilespmem:s24], [sflag:$0x6], $0x8000, $0x38;
	[tilespmem:$0x18C00] =	vst v63  }
0x80: {  	_ =	swait.ge [sflag:s15], $0x8000  }
0x81: {  	s1 =	rddreg [dreg:$0x4];
	[sflag:s15] =	ssyncset.done $0x0  }
0x82: {  	[sflag:s15] =	ssyncadd.s32 $0xFFFF8000;
	s20 =	sadd.s32 $0x0, s1  }
0x83: {  	[tilespmem:s0], [sflag:$0x7] =	stream.linear.gather [hbm4b:s20+s3], $0x400, $0x38;
	[tilespmem:$0x18C00] =	vst v63  }
0x84: {  	_ =	swait.ge [sflag:s16], $0x400  }
0x85: {  	[sflag:s16] =	ssyncset.done $0x0  }
0x86: {  	[sflag:s16] =	ssyncadd.s32 $0xFFFFFC00  }
0x87: {  	[tilespmem:s5], [sflag:$0x2] =	stream.indirect.gather [hbm4b:s2+s17], $0x20, s0, s17, $0xb8;
	[tilespmem:$0x18C00] =	vst v63  }
0x88: {  	s7 =	simm.s32 $0x9C00;
	s6 =	simm.s32 $0x480  }
0x89: {  	[tilespmem:s7], [sflag:$0x2] =	stream.indirect.gather [hbm4b:s2+s17], $0x20, s6, s17, $0xb8;
	[tilespmem:$0x18C00] =	vst v63  }
0x8a: {  	s9 =	simm.s32 $0x500;
	s21 =	simm.s32 $0xAC00  }
0x8b: {  	[tilespmem:s21], [sflag:$0x2] =	stream.indirect.gather [hbm4b:s2+s17], $0x20, s9, s17, $0xb8;
	[tilespmem:$0x18C00] =	vst v63  }
0x8c: {  	s8 =	simm.s32 $0x580;
	s7 =	simm.s32 $0xBC00  }
0x8d: {  	[tilespmem:s7], [sflag:$0x2] =	stream.indirect.gather [hbm4b:s2+s17], $0x20, s8, s17, $0xb8;
	[tilespmem:$0x18C00] =	vst v63  }
0x8e: {  	s20 =	simm.s32 $0x600;
	s9 =	simm.s32 $0xCC00  }
0x8f: {  	[tilespmem:s9], [sflag:$0x2] =	stream.indirect.gather [hbm4b:s2+s17], $0x20, s20, s17, $0xb8;
	[tilespmem:$0x18C00] =	vst v63  }
0x90: {  	s25 =	simm.s32 $0x680;
	s21 =	simm.s32 $0xDC00  }
0x91: {  	[tilespmem:s21], [sflag:$0x2] =	stream.indirect.gather [hbm4b:s2+s17], $0x20, s25, s17, $0xb8;
	[tilespmem:$0x18C00] =	vst v63  }
0x92: {  	s29 =	simm.s32 $0xEC00;
	s30 =	simm.s32 $0x700  }
0x93: {  	[tilespmem:s29], [sflag:$0x2] =	stream.indirect.gather [hbm4b:s2+s17], $0x20, s30, s17, $0xb8;
	[tilespmem:$0x18C00] =	vst v63  }
0x94: {  	s6 =	simm.s32 $0xFC00;
	s7 =	simm.s32 $0x780  }
0x95: {  	[tilespmem:s6], [sflag:$0x2] =	stream.indirect.gather [hbm4b:s2+s17], $0x20, s7, s17, $0xb8;
	[tilespmem:$0x18C00] =	vst v63  }
0x96: {  	_ =	swait.ge [sflag:s22], $0x8000  }
0x97: {  	[sflag:s22] =	ssyncset.done $0x0  }
0x98: {  	s21 =	rddreg [dreg:$0x11];
	[sflag:s22] =	ssyncadd.s32 $0xFFFF8000  }
0x99: {  	[hbm4b:s21+s3] =	stream.linear.scatter [tilespmem:s18], [sflag:$0x4], $0x8000, $0x38;
	[tilespmem:$0x18C00] =	vst v63  }
0x9a: {  	_ =	swait.ge [sflag:s19], $0x8000  }
0x9b: {  	s8 =	rddreg [dreg:$0x3];
	[sflag:s19] =	ssyncset.done $0x0  }
0x9c: {  	[sflag:s19] =	ssyncadd.s32 $0xFFFF8000;
	s20 =	sadd.s32 $0x0, s8  }
0x9d: {  	[tilespmem:s23], [sflag:$0x7] =	stream.linear.gather [hbm4b:s20+s3], $0x400, $0x38;
	[tilespmem:$0x18C00] =	vst v63  }
0x9e: {  	_ =	swait.ge [sflag:s16], $0x400  }
0x9f: {  	[sflag:s16] =	ssyncset.done $0x0  }
0xa0: {  	[sflag:s16] =	ssyncadd.s32 $0xFFFFFC00  }
0xa1: {  	[tilespmem:s24], [sflag:$0x3] =	stream.indirect.gather [hbm4b:s2+s17], $0x20, s23, s17, $0xb8;
	[tilespmem:$0x18C00] =	vst v63  }
0xa2: {  	s9 =	simm.s32 $0x11C00  }
0xa3: {  	[tilespmem:s9], [sflag:$0x3] =	stream.indirect.gather [hbm4b:s2+s17], $0x20, s10, s17, $0xb8;
	[tilespmem:$0x18C00] =	vst v63  }
0xa4: {  	s4 =	simm.s32 $0xB00;
	s20 =	simm.s32 $0x12C00  }
0xa5: {  	[tilespmem:s20], [sflag:$0x3] =	stream.indirect.gather [hbm4b:s2+s17], $0x20, s11, s17, $0xb8;
	[tilespmem:$0x18C00] =	vst v63  }
0xa6: {  	s26 =	sadd.s32 $0x3000, s26;
	s25 =	simm.s32 $0x13C00;
	s29 =	simm.s32 $0xA00  }
0xa7: {  	[tilespmem:s25], [sflag:$0x3] =	stream.indirect.gather [hbm4b:s2+s17], $0x20, s31, s17, $0xb8;
	[tilespmem:$0x18C00] =	vst v63  }
0xa8: {  	s30 =	simm.s32 $0x14C00;
	s6 =	simm.s32 $0xA00;
	s7 =	simm.s32 $0xA80  }
0xa9: {  	[tilespmem:s30], [sflag:$0x3] =	stream.indirect.gather [hbm4b:s2+s17], $0x20, s29, s17, $0xb8;
	[tilespmem:$0x18C00] =	vst v63  }
0xaa: {  	s21 =	sadd.s32 $0x3000, s21;
	s8 =	simm.s32 $0x14C00;
	s10 =	simm.s32 $0x15C00  }
0xab: {  	[tilespmem:s10], [sflag:$0x3] =	stream.indirect.gather [hbm4b:s2+s17], $0x20, s7, s17, $0xb8;
	[tilespmem:$0x18C00] =	vst v63  }
0xac: {  	s9 =	simm.s32 $0xA80;
	s20 =	simm.s32 $0xB00;
	s25 =	simm.s32 $0x16C00  }
0xad: {  	[tilespmem:s25], [sflag:$0x3] =	stream.indirect.gather [hbm4b:s2+s17], $0x20, s20, s17, $0xb8;
	[tilespmem:$0x18C00] =	vst v63  }
0xae: {  	s11 =	simm.s32 $0x15C00;
	s29 =	simm.s32 $0xB80;
	s30 =	simm.s32 $0x17C00  }
0xaf: {  	[tilespmem:s30], [sflag:$0x3] =	stream.indirect.gather [hbm4b:s2+s17], $0x20, s29, s17, $0xb8;
	[tilespmem:$0x18C00] =	vst v63  }
0xb0: {  	s31 =	simm.s32 $0x17C00;
	s7 =	simm.s32 $0x16C00;
	_ =	swait.ge [sflag:s12], $0x8000  }
0xb1: {  	s10 =	simm.s32 $0xB80;
	[sflag:s12] =	ssyncset.done $0x0;
	s28 =	rddreg [dreg:$0xf]  }
0xb2: {  	s20 =	simm.s32 $0x180;
	[sflag:s12] =	ssyncadd.s32 $0xFFFF8000;
	s25 =	sadd.s32 $0x3000, s28  }
.LBB2_2:
0xb3: {  	[hbm4b:s28+s3] =	stream.linear.scatter [tilespmem:s5], [sflag:$0x5], $0x8000, $0x38;
	[tilespmem:$0x18C00] =	vst v63  }
0xb4: {  	_ =	swait.ge [sflag:s13], $0x8000  }
0xb5: {  	s29 =	smov.u32 s20;
	s30 =	rddreg [dreg:$0x5];
	[sflag:s13] =	ssyncset.done $0x0  }
0xb6: {  	[sflag:s13] =	ssyncadd.s32 $0xFFFF8000;
	s30 =	sadd.s32 s29, s30  }
0xb7: {  	[tilespmem:s3], [sflag:$0x7] =	stream.linear.gather [hbm4b:s30+s3], $0x400, $0x38;
	[tilespmem:$0x18C00] =	vst v63  }
0xb8: {  	_ =	swait.ge [sflag:s16], $0x400  }
0xb9: {  	[sflag:s16] =	ssyncset.done $0x0  }
0xba: {  	[sflag:s16] =	ssyncadd.s32 $0xFFFFFC00  }
0xbb: {  	[tilespmem:s18], [sflag:$0x1] =	stream.indirect.gather [hbm4b:s2+s17], $0x20, s3, s17, $0xb8;
	[tilespmem:$0x18C00] =	vst v63  }
0xbc: {  	s1 =	simm.s32 $0x1C00  }
0xbd: {  	[tilespmem:s1], [sflag:$0x1] =	stream.indirect.gather [hbm4b:s2+s17], $0x20, s17, s17, $0xb8;
	[tilespmem:$0x18C00] =	vst v63  }
0xbe: {  	s30 =	simm.s32 $0x2C00;
	s1 =	simm.s32 $0x100  }
0xbf: {  	[tilespmem:s30], [sflag:$0x1] =	stream.indirect.gather [hbm4b:s2+s17], $0x20, s1, s17, $0xb8;
	[tilespmem:$0x18C00] =	vst v63  }
0xc0: {  	s1 =	simm.s32 $0x180;
	s30 =	simm.s32 $0x3C00  }
0xc1: {  	[tilespmem:s30], [sflag:$0x1] =	stream.indirect.gather [hbm4b:s2+s17], $0x20, s1, s17, $0xb8;
	[tilespmem:$0x18C00] =	vst v63  }
0xc2: {  	s1 =	simm.s32 $0x200;
	s30 =	simm.s32 $0x4C00  }
0xc3: {  	[tilespmem:s30], [sflag:$0x1] =	stream.indirect.gather [hbm4b:s2+s17], $0x20, s1, s17, $0xb8;
	[tilespmem:$0x18C00] =	vst v63  }
0xc4: {  	s1 =	simm.s32 $0x280;
	s30 =	simm.s32 $0x5C00  }
0xc5: {  	[tilespmem:s30], [sflag:$0x1] =	stream.indirect.gather [hbm4b:s2+s17], $0x20, s1, s17, $0xb8;
	[tilespmem:$0x18C00] =	vst v63  }
0xc6: {  	s30 =	simm.s32 $0x300;
	s1 =	simm.s32 $0x6C00  }
0xc7: {  	[tilespmem:s1], [sflag:$0x1] =	stream.indirect.gather [hbm4b:s2+s17], $0x20, s30, s17, $0xb8;
	[tilespmem:$0x18C00] =	vst v63  }
0xc8: {  	s1 =	simm.s32 $0x380;
	s30 =	simm.s32 $0x7C00  }
0xc9: {  	[tilespmem:s30], [sflag:$0x1] =	stream.indirect.gather [hbm4b:s2+s17], $0x20, s1, s17, $0xb8;
	[tilespmem:$0x18C00] =	vst v63  }
0xca: {  	_ =	swait.ge [sflag:s14], $0x8000  }
0xcb: {  	[sflag:s14] =	ssyncset.done $0x0  }
0xcc: {  	[sflag:s14] =	ssyncadd.s32 $0xFFFF8000  }
0xcd: {  	[hbm4b:s26+s3] =	stream.linear.scatter [tilespmem:s24], [sflag:$0x6], $0x8000, $0x38;
	[tilespmem:$0x18C00] =	vst v63  }
0xce: {  	_ =	swait.ge [sflag:s15], $0x8000  }
0xcf: {  	s1 =	rddreg [dreg:$0x4];
	[sflag:s15] =	ssyncset.done $0x0  }
0xd0: {  	[sflag:s15] =	ssyncadd.s32 $0xFFFF8000;
	s30 =	sadd.s32 s29, s1  }
0xd1: {  	[tilespmem:s0], [sflag:$0x7] =	stream.linear.gather [hbm4b:s30+s3], $0x400, $0x38;
	[tilespmem:$0x18C00] =	vst v63  }
0xd2: {  	_ =	swait.ge [sflag:s16], $0x400  }
0xd3: {  	[sflag:s16] =	ssyncset.done $0x0  }
0xd4: {  	[sflag:s16] =	ssyncadd.s32 $0xFFFFFC00  }
0xd5: {  	[tilespmem:s5], [sflag:$0x2] =	stream.indirect.gather [hbm4b:s2+s17], $0x20, s0, s17, $0xb8;
	[tilespmem:$0x18C00] =	vst v63  }
0xd6: {  	s1 =	simm.s32 $0x480;
	s30 =	simm.s32 $0x9C00  }
0xd7: {  	[tilespmem:s30], [sflag:$0x2] =	stream.indirect.gather [hbm4b:s2+s17], $0x20, s1, s17, $0xb8;
	[tilespmem:$0x18C00] =	vst v63  }
0xd8: {  	s1 =	simm.s32 $0x500;
	s30 =	simm.s32 $0xAC00  }
0xd9: {  	[tilespmem:s30], [sflag:$0x2] =	stream.indirect.gather [hbm4b:s2+s17], $0x20, s1, s17, $0xb8;
	[tilespmem:$0x18C00] =	vst v63  }
0xda: {  	s1 =	simm.s32 $0xBC00;
	s30 =	simm.s32 $0x580  }
0xdb: {  	[tilespmem:s1], [sflag:$0x2] =	stream.indirect.gather [hbm4b:s2+s17], $0x20, s30, s17, $0xb8;
	[tilespmem:$0x18C00] =	vst v63  }
0xdc: {  	s1 =	simm.s32 $0x600;
	s30 =	simm.s32 $0xCC00  }
0xdd: {  	[tilespmem:s30], [sflag:$0x2] =	stream.indirect.gather [hbm4b:s2+s17], $0x20, s1, s17, $0xb8;
	[tilespmem:$0x18C00] =	vst v63  }
0xde: {  	s1 =	simm.s32 $0x680;
	s30 =	simm.s32 $0xDC00  }
0xdf: {  	[tilespmem:s30], [sflag:$0x2] =	stream.indirect.gather [hbm4b:s2+s17], $0x20, s1, s17, $0xb8;
	[tilespmem:$0x18C00] =	vst v63  }
0xe0: {  	s1 =	simm.s32 $0x700;
	s30 =	simm.s32 $0xEC00  }
0xe1: {  	[tilespmem:s30], [sflag:$0x2] =	stream.indirect.gather [hbm4b:s2+s17], $0x20, s1, s17, $0xb8;
	[tilespmem:$0x18C00] =	vst v63  }
0xe2: {  	s1 =	simm.s32 $0x780;
	s30 =	simm.s32 $0xFC00  }
0xe3: {  	[tilespmem:s30], [sflag:$0x2] =	stream.indirect.gather [hbm4b:s2+s17], $0x20, s1, s17, $0xb8;
	[tilespmem:$0x18C00] =	vst v63  }
0xe4: {  	_ =	swait.ge [sflag:s22], $0x8000  }
0xe5: {  	[sflag:s22] =	ssyncset.done $0x0  }
0xe6: {  	[sflag:s22] =	ssyncadd.s32 $0xFFFF8000  }
0xe7: {  	[hbm4b:s21+s3] =	stream.linear.scatter [tilespmem:s18], [sflag:$0x4], $0x8000, $0x38;
	[tilespmem:$0x18C00] =	vst v63  }
0xe8: {  	_ =	swait.ge [sflag:s19], $0x8000  }
0xe9: {  	s1 =	rddreg [dreg:$0x3];
	[sflag:s19] =	ssyncset.done $0x0  }
0xea: {  	[sflag:s19] =	ssyncadd.s32 $0xFFFF8000;
	s29 =	sadd.s32 s29, s1  }
0xeb: {  	[tilespmem:s23], [sflag:$0x7] =	stream.linear.gather [hbm4b:s29+s3], $0x400, $0x38;
	[tilespmem:$0x18C00] =	vst v63  }
0xec: {  	_ =	swait.ge [sflag:s16], $0x400  }
0xed: {  	[sflag:s16] =	ssyncset.done $0x0  }
0xee: {  	[sflag:s16] =	ssyncadd.s32 $0xFFFFFC00  }
0xef: {  	[tilespmem:s24], [sflag:$0x3] =	stream.indirect.gather [hbm4b:s2+s17], $0x20, s23, s17, $0xb8;
	[tilespmem:$0x18C00] =	vst v63  }
0xf0: {  	s30 =	simm.s32 $0x11C00;
	s1 =	simm.s32 $0x880  }
0xf1: {  	[tilespmem:s30], [sflag:$0x3] =	stream.indirect.gather [hbm4b:s2+s17], $0x20, s1, s17, $0xb8;
	[tilespmem:$0x18C00] =	vst v63  }
0xf2: {  	s1 =	simm.s32 $0x900;
	s30 =	simm.s32 $0x12C00  }
0xf3: {  	[tilespmem:s30], [sflag:$0x3] =	stream.indirect.gather [hbm4b:s2+s17], $0x20, s1, s17, $0xb8;
	[tilespmem:$0x18C00] =	vst v63  }
0xf4: {  	s1 =	simm.s32 $0x980;
	s30 =	simm.s32 $0x13C00  }
0xf5: {  	[tilespmem:s30], [sflag:$0x3] =	stream.indirect.gather [hbm4b:s2+s17], $0x20, s1, s17, $0xb8;
	[tilespmem:$0x18C00] =	vst v63  }
0xf6: {  	_ = 	snop  }
0xf7: {  	[tilespmem:s8], [sflag:$0x3] =	stream.indirect.gather [hbm4b:s2+s17], $0x20, s6, s17, $0xb8;
	[tilespmem:$0x18C00] =	vst v63  }
0xf8: {  	_ = 	snop  }
0xf9: {  	[tilespmem:s11], [sflag:$0x3] =	stream.indirect.gather [hbm4b:s2+s17], $0x20, s9, s17, $0xb8;
	[tilespmem:$0x18C00] =	vst v63  }
0xfa: {  	p0 =	sne.s32 s20, $0x2E80  }
0xfb: {  	[tilespmem:s7], [sflag:$0x3] =	stream.indirect.gather [hbm4b:s2+s17], $0x20, s4, s17, $0xb8;
	[tilespmem:$0x18C00] =	vst v63  }
.Ltmp0:
0xfc: {  	_ = 	snop;
	(pc) =	sbr.rel @p0 .LBB2_2-.Ltmp0, $4  }
0xfd: {  	[tilespmem:s31], [sflag:$0x3] =	stream.indirect.gather [hbm4b:s2+s17], $0x20, s10, s17, $0xb8;
	[tilespmem:$0x18C00] =	vst v63  }
0xfe: {  	s28 =	smov.u32 s25;
	_ =	swait.ge [sflag:s12], $0x8000  }
0xff: {  	s20 =	sadd.s32 $0x180, s20;
	s25 =	sadd.s32 $0x3000, s25;
	[sflag:s12] =	ssyncset.done $0x0  }
0x100: {  	s26 =	sadd.s32 $0x3000, s26;
	s21 =	sadd.s32 $0x3000, s21;
	[sflag:s12] =	ssyncadd.s32 $0xFFFF8000  }
0x101: {  	[hbm4b:s28+s3] =	stream.linear.scatter [tilespmem:s5], [sflag:$0x5], $0x8000, $0x38;
	[tilespmem:$0x18C00] =	vst v63  }
0x102: {  	_ =	swait.ge [sflag:s13], $0x8000  }
0x103: {  	[sflag:s13] =	ssyncset.done $0x0  }
0x104: {  	s20 =	rddreg [dreg:$0xb];
	[sflag:s13] =	ssyncadd.s32 $0xFFFF8000  }
0x105: {  	[tilespmem:s3], [sflag:$0x7] =	stream.linear.gather [hbm4b:s20+s3], $0x400, $0x38;
	[tilespmem:$0x18C00] =	vst v63  }
0x106: {  	_ =	swait.ge [sflag:s16], $0x400  }
0x107: {  	[sflag:s16] =	ssyncset.done $0x0  }
0x108: {  	[sflag:s16] =	ssyncadd.s32 $0xFFFFFC00  }
0x109: {  	[tilespmem:s18], [sflag:$0x1] =	stream.indirect.gather [hbm4b:s2+s17], $0x20, s3, s17, $0xb8;
	[tilespmem:$0x18C00] =	vst v63  }
0x10a: {  	s1 =	simm.s32 $0x1C00  }
0x10b: {  	[tilespmem:s1], [sflag:$0x1] =	stream.indirect.gather [hbm4b:s2+s17], $0x20, s17, s17, $0xb8;
	[tilespmem:$0x18C00] =	vst v63  }
0x10c: {  	s30 =	simm.s32 $0x100;
	s4 =	simm.s32 $0x2C00  }
0x10d: {  	[tilespmem:s4], [sflag:$0x1] =	stream.indirect.gather [hbm4b:s2+s17], $0x20, s30, s17, $0xb8;
	[tilespmem:$0x18C00] =	vst v63  }
0x10e: {  	s6 =	simm.s32 $0x3C00;
	s4 =	simm.s32 $0x180  }
0x10f: {  	[tilespmem:s6], [sflag:$0x1] =	stream.indirect.gather [hbm4b:s2+s17], $0x20, s4, s17, $0xb8;
	[tilespmem:$0x18C00] =	vst v63  }
0x110: {  	s7 =	simm.s32 $0x200;
	s8 =	simm.s32 $0x4C00  }
0x111: {  	[tilespmem:s8], [sflag:$0x1] =	stream.indirect.gather [hbm4b:s2+s17], $0x20, s7, s17, $0xb8;
	[tilespmem:$0x18C00] =	vst v63  }
0x112: {  	s9 =	simm.s32 $0x280;
	s10 =	simm.s32 $0x5C00  }
0x113: {  	[tilespmem:s10], [sflag:$0x1] =	stream.indirect.gather [hbm4b:s2+s17], $0x20, s9, s17, $0xb8;
	[tilespmem:$0x18C00] =	vst v63  }
0x114: {  	s11 =	simm.s32 $0x300;
	s20 =	simm.s32 $0x6C00  }
0x115: {  	[tilespmem:s20], [sflag:$0x1] =	stream.indirect.gather [hbm4b:s2+s17], $0x20, s11, s17, $0xb8;
	[tilespmem:$0x18C00] =	vst v63  }
0x116: {  	s21 =	simm.s32 $0x380;
	s25 =	simm.s32 $0x7C00  }
0x117: {  	[tilespmem:s25], [sflag:$0x1] =	stream.indirect.gather [hbm4b:s2+s17], $0x20, s21, s17, $0xb8;
	[tilespmem:$0x18C00] =	vst v63  }
0x118: {  	_ =	swait.ge [sflag:s14], $0x8000  }
0x119: {  	[sflag:s14] =	ssyncset.done $0x0  }
0x11a: {  	s26 =	rddreg [dreg:$0xc];
	[sflag:s14] =	ssyncadd.s32 $0xFFFF8000  }
0x11b: {  	[hbm4b:s26+s3] =	stream.linear.scatter [tilespmem:s24], [sflag:$0x6], $0x8000, $0x38;
	[tilespmem:$0x18C00] =	vst v63  }
0x11c: {  	_ =	swait.ge [sflag:s22], $0x8000  }
0x11d: {  	[sflag:s22] =	ssyncset.done $0x0  }
0x11e: {  	s28 =	rddreg [dreg:$0xd];
	[sflag:s22] =	ssyncadd.s32 $0xFFFF8000  }
0x11f: {  	[hbm4b:s28+s3] =	stream.linear.scatter [tilespmem:s18], [sflag:$0x4], $0x8000, $0x38;
	[tilespmem:$0x18C00] =	vst v63  }
0x120: {  	_ =	swait.ge [sflag:s13], $0x8000  }
0x121: {  	[sflag:s13] =	ssyncset.done $0x0  }
0x122: {  	[sflag:s13] =	ssyncadd.s32 $0xFFFF8000  }
0x123: {  	_ =	swait.ge [sflag:s15], $0x8000  }
0x124: {  	[sflag:s15] =	ssyncset.done $0x0  }
0x125: {  	[sflag:s15] =	ssyncadd.s32 $0xFFFF8000  }
0x126: {  	_ =	swait.ge [sflag:s19], $0x8000  }
0x127: {  	s29 =	rddreg [dreg:$0x12]  }
0x128: {  	s30 =	rddreg [dreg:$0xe];
	s1 =	sadd.s32 $0x1, s29  }
0x129: {  	p0 =	sne.s32 s1, s30  }
.Ltmp1:
0x12a: {  	_ = 	snop;
	(pc) =	sbr.rel @p0 .LBB2_1-.Ltmp1, $4  }
0x12b: {  	_ = 	snop  }
0x12c: {  	s31 =	simm.s32 $0x580  }
0x12d: {  	s7 =	simm.s32 $0x480;
	s8 =	simm.s32 $0x9C00;
	[sflag:s19] =	ssyncset.done $0x0  }
0x12e: {  	s10 =	simm.s32 $0x500;
	s11 =	simm.s32 $0xAC00;
	[sflag:s19] =	ssyncadd.s32 $0xFFFF8000  }
0x12f: {  	_ =	sfence.sel $0x180000  }
0x130: {  	[bflag:$0x0] =	sbarrier.arrive $0xFFFF  }
0x131: {  	_ =	strace $0x90000047  }
0x132: {  	s0 =	stileid.u32;
	[bflag:$0x2] =	sbarrier.arrive $0xFFFF  }
0x133: {  	p0 =	sne.s32 s0, $0x0;
	s0 =	rddreg [dreg:$0x2]  }
0x134: {  	s0 =	sadd.s32 @!p0 $0x100000, s0  }
0x135: {  	[sflag:s0] =	ssyncadd.tile.s32 @!p0 $0x1;
	_ =	shalt  }
.Lfunc_end2:
_tile_overlayer_lowered:
.L_overlay_start_2:
0x136: {  	(tag) =	ssettag $0x2  }
0x137: {  	s0 =	rddreg [dreg:$0x0];
	s2 =	stileid.u32  }
0x138: {  	s1 =	rddreg [dreg:$0x1];
	p0 =	sne.s32 s2, $0x0  }
0x139: {  	s3 =	rddreg [dreg:$0x2];
	[bflag:$0x3] =	sbarrier.arrive $0xFFFF;
	s2 =	simm.s32 @!p0 $0x1C07  }
0x13a: {  	[timem:s3], [sflag:s2] =	dma.local @!p0 [hbm:s0], s1  }
0x13b: {  	s0 =	simm.s32 @!p0 $0x7  }
0x13c: {  	_ =	swait.ge @!p0 [sflag:s0], s1  }
0x13d: {  	s1 =	ssub.s32 @!p0 $0x0, s1;
	[sflag:s0] =	ssyncset.done @!p0 $0x0  }
0x13e: {  	[sflag:s0] =	ssyncadd.s32 @!p0 s1  }
0x13f: {  	[bflag:$0x3] =	sbarrier.arrive $0xFFFF  }
0x140: {  	_ =	shalt  }

</sc_bundles>
